<compile_context>
chip_gen: v7x
topology: tpu7x:2x2x1
jax: 0.10.2.dev20260603
libtpu: 0.0.44.dev20260713+nightly
codegen_flags: <defaults>
</compile_context>

<pallas_src>
import functools

import jax
import jax.numpy as jnp
from jax import lax
from jax.experimental import pallas as pl
from jax.experimental.pallas import tpu as pltpu
from jax.experimental.pallas import tpu_sc as plsc

_EPS = 1e-5


def _softplus(x):
    return jnp.maximum(x, 0.0) + jnp.log1p(jnp.exp(-jnp.abs(x)))


def _sigmoid(x):
    return 0.5 * jnp.tanh(0.5 * x) + 0.5


def _sc_gather(table, idx_flat, chunk=400):
    n_rows, d = table.shape
    b = idx_flat.shape[0]
    info = plsc.get_sparse_core_info()
    nw = info.num_cores * info.num_subcores
    per_w = b // nw
    while per_w % chunk != 0:
        chunk //= 2
    assert per_w * nw == b and per_w % chunk == 0 and chunk % 8 == 0
    n_chunks = per_w // chunk
    assert n_chunks >= 3
    mesh = plsc.VectorSubcoreMesh(core_axis_name="c", subcore_axis_name="s")

    @functools.partial(
        pl.kernel,
        mesh=mesh,
        out_type=jax.ShapeDtypeStruct((b, d), table.dtype),
        compiler_params=pltpu.CompilerParams(use_tc_tiling_on_sc=True),
        scratch_types=[
            pltpu.VMEM((chunk,), jnp.int32),
            pltpu.VMEM((chunk,), jnp.int32),
            pltpu.VMEM((chunk, d), table.dtype),
            pltpu.VMEM((chunk, d), table.dtype),
            pltpu.SemaphoreType.DMA,
            pltpu.SemaphoreType.DMA,
            pltpu.SemaphoreType.DMA,
            pltpu.SemaphoreType.DMA,
        ],
    )
    def k(table_hbm, idx_hbm, out_hbm, idx_v0, idx_v1, rows_v0, rows_v1,
          sem_g0, sem_g1, sem_o0, sem_o1):
        wid = lax.axis_index("s") * info.num_cores + lax.axis_index("c")
        base = pl.multiple_of(wid * per_w, 8)
        idx_v = (idx_v0, idx_v1)
        rows_v = (rows_v0, rows_v1)
        sem_g = (sem_g0, sem_g1)
        sem_o = (sem_o0, sem_o1)

        def off(ci):
            return pl.multiple_of(base + ci * chunk, 8)

        def launch(ci, sl):
            pltpu.sync_copy(idx_hbm.at[pl.ds(off(ci), chunk)], idx_v[sl])
            pltpu.async_copy(table_hbm.at[idx_v[sl]], rows_v[sl], sem_g[sl])

        launch(0, 0)
        launch(1, 1)

        def step(ci, sl, refill):
            pltpu.make_async_copy(table_hbm.at[idx_v[sl]], rows_v[sl],
                                  sem_g[sl]).wait()
            pltpu.async_copy(rows_v[sl], out_hbm.at[pl.ds(off(ci), chunk)],
                             sem_o[sl])

            if refill:
                @pl.when(ci + 2 < n_chunks)
                def _refill():
                    pltpu.make_async_copy(
                        rows_v[sl], out_hbm.at[pl.ds(off(ci), chunk)],
                        sem_o[sl]).wait()
                    launch(ci + 2, sl)

        def body(j, _):
            for sl in range(2):
                step(2 * j + sl, sl, True)
            return ()

        lax.fori_loop(0, n_chunks // 2, body, (), unroll=False)
        if n_chunks % 2:
            step(n_chunks - 1, 0, False)
        for sl in range(2):
            pltpu.make_async_copy(rows_v[sl],
                                  out_hbm.at[pl.ds(base, chunk)],
                                  sem_o[sl]).wait()

    return k(table, idx_flat)


def _center_body(atom_ref, wc_ref, bf_ref, out_ref):
    out_ref[...] = (
        jnp.dot(atom_ref[...], wc_ref[...], preferred_element_type=jnp.float32)
        + bf_ref[...]
    ).astype(jnp.bfloat16)


def _edge_preact(g, q, wg, wn):
    return (
        jnp.dot(g.astype(jnp.bfloat16), wg, preferred_element_type=jnp.float32)
        + jnp.dot(q, wn, preferred_element_type=jnp.float32)
    )


def _fused_body(nsteps, ba, ba2, g_ref, q_ref, a_ref, w_ref, atom_ref,
                wg_ref, wn_ref, g1_ref, b1_ref, g2_ref, b2_ref, wp_ref,
                bp_ref, out_ref,
                stats_scr, st2_scr, wgs_scr, wns_scr, s_scr):
    i = pl.program_id(0)

    @pl.when(i == 0)
    def _init():
        stats_scr[...] = jnp.zeros_like(stats_scr)
        st2_scr[...] = jnp.zeros_like(st2_scr)

    @pl.when(i < nsteps)
    def _stats_phase():
        a = a_ref[...].astype(jnp.float32)
        q = q_ref[...].astype(jnp.bfloat16)
        x2 = _edge_preact(g_ref[...], q, wg_ref[...], wn_ref[...])
        ba_, hf = a.shape
        m = x2.shape[0] // ba_
        t = jnp.sum(x2.reshape(ba_, m, hf), axis=1)
        s = jnp.sum(t, axis=0) + m * jnp.sum(a, axis=0)
        sq = (
            jnp.sum(x2 * x2, axis=0)
            + 2.0 * jnp.sum(a * t, axis=0)
            + m * jnp.sum(a * a, axis=0)
        )
        stats_scr[0:1, :] += s.reshape(1, hf)
        stats_scr[1:2, :] += sq.reshape(1, hf)

    @pl.when((i >= nsteps) & (i < 2 * nsteps))
    def _apply_phase():
        a = a_ref[...].astype(jnp.float32)
        ba_, hf = a.shape
        af = hf // 2
        m = g_ref.shape[0] // ba_
        count = float(nsteps * ba * m)
        mu = stats_scr[0:1, :] / count
        ex2 = stats_scr[1:2, :] / count
        var = ex2 - mu * mu
        inv = lax.rsqrt(var + _EPS)
        scale = g1_ref[...] * inv
        shift = b1_ref[...] - mu * scale

        @pl.when(i == nsteps)
        def _scale_weights():
            wgs_scr[...] = (wg_ref[...] * scale.astype(jnp.bfloat16))
            wns_scr[...] = (wn_ref[...] * scale.astype(jnp.bfloat16))

        q = q_ref[...].astype(jnp.bfloat16)
        y2 = _edge_preact(g_ref[...], q, wgs_scr[...], wns_scr[...])
        a2 = a * scale + shift
        y3 = y2.reshape(ba_, m, hf) + a2[:, None, :]
        f = _sigmoid(y3[:, :, :af])
        c = _softplus(y3[:, :, af:])
        w = w_ref[...]
        prod = f * c * (w * w)[:, :, None]
        s_blk = jnp.sum(prod, axis=1)
        s_scr[pl.ds((i - nsteps) * ba, ba), :] = s_blk
        st2_scr[0:1, :] += jnp.sum(s_blk, axis=0).reshape(1, af)
        st2_scr[1:2, :] += jnp.sum(s_blk * s_blk, axis=0).reshape(1, af)

    @pl.when(i >= 2 * nsteps)
    def _project_phase():
        j = i - 2 * nsteps
        n_count = float(s_scr.shape[0])
        mu = st2_scr[0:1, :] / n_count
        ex2 = st2_scr[1:2, :] / n_count
        var = ex2 - mu * mu
        inv = lax.rsqrt(var + _EPS)
        scale = g2_ref[...] * inv
        shift = b2_ref[...] - mu * scale
        s = s_scr[pl.ds(j * ba2, ba2), :]
        h = _softplus(atom_ref[...] + s * scale + shift)
        out_ref[...] = (
            jnp.dot(h, wp_ref[...], preferred_element_type=jnp.float32)
            + bp_ref[...]
        )


def _tc_pipeline(atom_fea, g0, nbr_flat, bond_w, W_full, b_full,
                 g1, b1, g2, b2, W_proj, b_proj):
    n, af = atom_fea.shape
    nm = g0.shape[0]
    m = nm // n
    nf = nbr_flat.shape[1]
    hf = 2 * af

    wc = W_full[:af]
    wg = W_full[af:2 * af].astype(jnp.bfloat16)
    wn = W_full[2 * af:].astype(jnp.bfloat16)

    a_center = pl.pallas_call(
        _center_body,
        out_shape=jax.ShapeDtypeStruct((n, hf), jnp.bfloat16),
    )(atom_fea, wc, b_full.reshape(1, hf))

    ba = 200
    be = ba * m
    nsteps = n // ba
    ba2 = 2000
    k4steps = n // ba2
    total = 2 * nsteps + k4steps
    full = lambda shp: pl.BlockSpec(shp, lambda i: (0,) * len(shp))

    def edge_idx(i):
        return jnp.where(i >= 2 * nsteps, nsteps - 1, lax.rem(i, nsteps))

    atom_out = pl.pallas_call(
        functools.partial(_fused_body, nsteps, ba, ba2),
        grid=(total,),
        in_specs=[
            pl.BlockSpec((be, af), lambda i: (edge_idx(i), 0)),
            pl.BlockSpec((be, nf), lambda i: (edge_idx(i), 0)),
            pl.BlockSpec((ba, hf), lambda i: (edge_idx(i), 0)),
            pl.BlockSpec((ba, m), lambda i: (edge_idx(i), 0)),
            pl.BlockSpec((ba2, af),
                         lambda i: (jnp.maximum(i - 2 * nsteps, 0), 0)),
            full((af, hf)),
            full((nf, hf)),
            full((1, hf)),
            full((1, hf)),
            full((1, af)),
            full((1, af)),
            full((af, af)),
            full((1, af)),
        ],
        out_specs=pl.BlockSpec((ba2, af),
                               lambda i: (jnp.maximum(i - 2 * nsteps, 0), 0)),
        out_shape=jax.ShapeDtypeStruct((n, af), jnp.float32),
        scratch_shapes=[
            pltpu.VMEM((8, hf), jnp.float32),
            pltpu.VMEM((8, af), jnp.float32),
            pltpu.VMEM((af, hf), jnp.bfloat16),
            pltpu.VMEM((nf, hf), jnp.bfloat16),
            pltpu.VMEM((n, af), jnp.float32),
        ],
    )(g0, nbr_flat, a_center, bond_w, atom_fea, wg, wn,
      g1.reshape(1, hf), b1.reshape(1, hf), g2.reshape(1, af),
      b2.reshape(1, af), W_proj, b_proj.reshape(1, af))

    return atom_out


def kernel(atom_fea, nbr_fea, nbr_fea_idx, bond_weights_ag,
           W_full, b_full, g1, b1, g2, b2, W_proj, b_proj):
    n, m = nbr_fea_idx.shape
    nf = nbr_fea.shape[2]
    idx_flat = nbr_fea_idx.reshape(n * m).astype(jnp.int32)
    g0 = _sc_gather(atom_fea, idx_flat)
    nbr_flat = nbr_fea.reshape(n * m, nf).astype(jnp.bfloat16)
    atom_out = _tc_pipeline(atom_fea, g0, nbr_flat, bond_weights_ag,
                            W_full, b_full, g1, b1, g2, b2, W_proj, b_proj)
    return atom_out, nbr_fea

# --- scband reference (transcript-rebuilt; emitter-appended) ---
"""Pipeline reference for scband-conv-block-19078244729260 (READ-ONLY COPY).

The authoritative reference and input builder live on the scoring server;
editing this copy changes nothing except your own understanding.
"""

import jax, jax.numpy as jnp
import numpy as np

N = 10000
M = 32
AF = 128
NF = 16

def _batchnorm(x, g, b, eps=1e-5):
    mu = jnp.mean(x, axis=0)
    var = jnp.var(x, axis=0)
    return (x - mu) / jnp.sqrt(var + eps) * g + b

def setup_inputs(seed: int = 0) -> dict:
    key = jax.random.key(seed)
    ks = jax.random.split(key, 8)
    atom_fea = jax.random.normal(ks[0], (N, AF), dtype=jnp.float32)
    nbr_fea = jax.random.normal(ks[1], (N, M, NF), dtype=jnp.float32)
    nbr_fea_idx = jax.random.randint(ks[2], (N, M), 0, N)
    bond_weights_ag = jax.random.uniform(ks[3], (N, M), dtype=jnp.float32)
    W_full = jax.random.normal(ks[4], (2 * AF + NF, 2 * AF), dtype=jnp.float32) * (1.0 / np.sqrt(2 * AF + NF))
    b_full = jnp.zeros((2 * AF,), dtype=jnp.float32)
    g1 = jnp.ones((2 * AF,), dtype=jnp.float32)
    b1 = jnp.zeros((2 * AF,), dtype=jnp.float32)
    g2 = jnp.ones((AF,), dtype=jnp.float32)
    b2 = jnp.zeros((AF,), dtype=jnp.float32)
    W_proj = jax.random.normal(ks[5], (AF, AF), dtype=jnp.float32) * (1.0 / np.sqrt(AF))
    b_proj = jnp.zeros((AF,), dtype=jnp.float32)
    return {
        "atom_fea": atom_fea,
        "nbr_fea": nbr_fea,
        "nbr_fea_idx": nbr_fea_idx,
        "bond_weights_ag": bond_weights_ag,
        "W_full": W_full,
        "b_full": b_full,
        "g1": g1,
        "b1": b1,
        "g2": g2,
        "b2": b2,
        "W_proj": W_proj,
        "b_proj": b_proj,
    }

def reference(atom_fea, nbr_fea, nbr_fea_idx, bond_weights_ag,
              W_full, b_full, g1, b1, g2, b2, W_proj, b_proj):
    n, m = nbr_fea_idx.shape
    # AtomConvLayer (ConvBlock with update_bond=False)
    atom_nbr_fea = jnp.take(atom_fea, nbr_fea_idx, axis=0)  # (N, M, AF) gather
    center = jnp.broadcast_to(atom_fea[:, None, :], (n, m, AF))
    total_nbr_fea = jnp.concatenate([center, atom_nbr_fea, nbr_fea], axis=2)  # (N, M, 2*AF+NF)
    total_gated = total_nbr_fea @ W_full + b_full  # (N, M, 2*AF)
    total_gated = _batchnorm(total_gated.reshape(-1, 2 * AF), g1, b1).reshape(n, m, 2 * AF)
    nbr_filter, nbr_core = jnp.split(total_gated, 2, axis=2)
    nbr_filter = jax.nn.sigmoid(nbr_filter) * bond_weights_ag[..., None]
    nbr_core = jax.nn.softplus(nbr_core) * bond_weights_ag[..., None]
    nbr_sumed = jnp.sum(nbr_filter * nbr_core, axis=1)  # (N, AF)
    nbr_sumed = _batchnorm(nbr_sumed, g2, b2)
    atom_out = jax.nn.softplus(atom_fea + nbr_sumed)
    # atom projection
    atom_out = atom_out @ W_proj + b_proj
    # update_bond=False: bond features pass through unchanged
    return atom_out, nbr_fea

if __name__ == "__main__":
    import jax
    _d = setup_inputs()
    print(jax.jit(kernel)(*tuple(_d.values())))

</pallas_src>

<mosaic_0001>
#map = affine_map<(d0, d1) -> (0, 0)>
#map1 = affine_map<(d0, d1) -> (0)>
module attributes {stable_mosaic.version = 14 : i64} {
  func.func @k(%arg0: i32, %arg1: i32, %arg2: memref<10000x128xf32, #tpu.memory_space<hbm>>, %arg3: memref<320000xi32, #tpu.memory_space<hbm>>, %arg4: memref<320000x128xf32, #tpu.memory_space<hbm>>, %arg5: memref<400xi32, #tpu.memory_space<vmem>>, %arg6: memref<400xi32, #tpu.memory_space<vmem>>, %arg7: memref<400x128xf32, #tpu.memory_space<vmem>>, %arg8: memref<400x128xf32, #tpu.memory_space<vmem>>, %arg9: memref<!tpu.dma_semaphore, #tpu.memory_space<semaphore_mem>>, %arg10: memref<!tpu.dma_semaphore, #tpu.memory_space<semaphore_mem>>, %arg11: memref<!tpu.dma_semaphore, #tpu.memory_space<semaphore_mem>>, %arg12: memref<!tpu.dma_semaphore, #tpu.memory_space<semaphore_mem>>) attributes {dimension_semantics = [#tpu.dimension_semantics<core_parallel>, #tpu.dimension_semantics<subcore_parallel>], iteration_bounds = array<i64: 2, 16>, scalar_prefetch = 0 : i64, scratch_operands = 8 : i64, tpu.core_type = #tpu.core_type<sc_vector_subcore>, window_params = [{transform_indices = #map}, {transform_indices = #map1}, {transform_indices = #map}]} {
    %mul3A = arith.constant 2 : i32
    %mul3A_0 = arith.muli %arg1, %mul3A : i32
    %add3A = arith.addi %mul3A_0, %arg0 : i32
    %mul3A_1 = arith.constant 10000 : i32
    %mul3A_2 = arith.muli %add3A, %mul3A_1 : i32
    %multiple_of3A = tpu.assume_multiple %mul3A_2, 8 : i32
    %add3A_3 = arith.constant 0 : i32
    %add3A_4 = arith.addi %multiple_of3A, %add3A_3 : i32
    %multiple_of3A_5 = tpu.assume_multiple %add3A_4, 8 : i32
    "tpu.region"() ({
      %run_scoped3A = tpu.sem_alloc : memref<!tpu.dma_semaphore, #tpu.memory_space<semaphore_mem>>
      %dma_start3A_35 = tpu.memref_slice %arg3[%multiple_of3A_5] : memref<320000xi32, #tpu.memory_space<hbm>> -> memref<400xi32, #tpu.memory_space<hbm>>
      %dma_start3A_36 = tpu.memref_slice %arg3[%multiple_of3A_5] : memref<320000xi32, #tpu.memory_space<hbm>> -> memref<400xi32, #tpu.memory_space<hbm>>
      tpu.enqueue_dma source(%dma_start3A_36 : memref<400xi32, #tpu.memory_space<hbm>>) target(%arg5 : memref<400xi32, #tpu.memory_space<vmem>>) target_semaphore(%run_scoped3A : memref<!tpu.dma_semaphore, #tpu.memory_space<semaphore_mem>>)
      %dma_wait3A_37 = tpu.memref_slice %arg3[%multiple_of3A_5] : memref<320000xi32, #tpu.memory_space<hbm>> -> memref<400xi32, #tpu.memory_space<hbm>>
      %dma_wait3A_38 = tpu.memref_slice %arg3[%multiple_of3A_5] : memref<320000xi32, #tpu.memory_space<hbm>> -> memref<400xi32, #tpu.memory_space<hbm>>
      tpu.wait_dma2 semaphore(%run_scoped3A : memref<!tpu.dma_semaphore, #tpu.memory_space<semaphore_mem>>) src(%dma_wait3A_38 : memref<400xi32, #tpu.memory_space<hbm>>) dst(%arg5 : memref<400xi32, #tpu.memory_space<vmem>>)
      tpu.yield
    }) : () -> ()
    %dma_start3A = arith.constant 0 : i32
    %dma_start3A_6 = arith.constant 0 : i32
    %dma_start3A_7 = tpu.memref_slice %arg2[%dma_start3A, %dma_start3A_6] : memref<10000x128xf32, #tpu.memory_space<hbm>> -> memref<10000x128xf32, #tpu.memory_space<hbm>>
    tpu.enqueue_indirect_dma source(%dma_start3A_7 : memref<10000x128xf32, #tpu.memory_space<hbm>>) target(%arg7 : memref<400x128xf32, #tpu.memory_space<vmem>>) offsets(%arg5 : memref<400xi32, #tpu.memory_space<vmem>>) semaphore(%arg9 : memref<!tpu.dma_semaphore, #tpu.memory_space<semaphore_mem>>)
    %add3A_8 = arith.constant 400 : i32
    %add3A_9 = arith.addi %multiple_of3A, %add3A_8 : i32
    %multiple_of3A_10 = tpu.assume_multiple %add3A_9, 8 : i32
    "tpu.region"() ({
      %run_scoped3A = tpu.sem_alloc : memref<!tpu.dma_semaphore, #tpu.memory_space<semaphore_mem>>
      %dma_start3A_35 = tpu.memref_slice %arg3[%multiple_of3A_10] : memref<320000xi32, #tpu.memory_space<hbm>> -> memref<400xi32, #tpu.memory_space<hbm>>
      %dma_start3A_36 = tpu.memref_slice %arg3[%multiple_of3A_10] : memref<320000xi32, #tpu.memory_space<hbm>> -> memref<400xi32, #tpu.memory_space<hbm>>
      tpu.enqueue_dma source(%dma_start3A_36 : memref<400xi32, #tpu.memory_space<hbm>>) target(%arg6 : memref<400xi32, #tpu.memory_space<vmem>>) target_semaphore(%run_scoped3A : memref<!tpu.dma_semaphore, #tpu.memory_space<semaphore_mem>>)
      %dma_wait3A_37 = tpu.memref_slice %arg3[%multiple_of3A_10] : memref<320000xi32, #tpu.memory_space<hbm>> -> memref<400xi32, #tpu.memory_space<hbm>>
      %dma_wait3A_38 = tpu.memref_slice %arg3[%multiple_of3A_10] : memref<320000xi32, #tpu.memory_space<hbm>> -> memref<400xi32, #tpu.memory_space<hbm>>
      tpu.wait_dma2 semaphore(%run_scoped3A : memref<!tpu.dma_semaphore, #tpu.memory_space<semaphore_mem>>) src(%dma_wait3A_38 : memref<400xi32, #tpu.memory_space<hbm>>) dst(%arg6 : memref<400xi32, #tpu.memory_space<vmem>>)
      tpu.yield
    }) : () -> ()
    %dma_start3A_11 = arith.constant 0 : i32
    %dma_start3A_12 = arith.constant 0 : i32
    %dma_start3A_13 = tpu.memref_slice %arg2[%dma_start3A_11, %dma_start3A_12] : memref<10000x128xf32, #tpu.memory_space<hbm>> -> memref<10000x128xf32, #tpu.memory_space<hbm>>
    tpu.enqueue_indirect_dma source(%dma_start3A_13 : memref<10000x128xf32, #tpu.memory_space<hbm>>) target(%arg8 : memref<400x128xf32, #tpu.memory_space<vmem>>) offsets(%arg6 : memref<400xi32, #tpu.memory_space<vmem>>) semaphore(%arg10 : memref<!tpu.dma_semaphore, #tpu.memory_space<semaphore_mem>>)
    %scan3A = arith.constant 0 : i32
    %scan3A_14 = arith.constant 12 : i32
    %scan3A_15 = arith.addi %scan3A, %scan3A_14 : i32
    %scan3A_16 = arith.constant 1 : i32
    scf.for %scan3A_35 = %scan3A to %scan3A_15 step %scan3A_16  : i32 {
      %mul3A_36 = arith.constant 2 : i32
      %mul3A_37 = arith.muli %mul3A_36, %scan3A_35 : i32
      %add3A_38 = arith.constant 0 : i32
      %add3A_39 = arith.addi %mul3A_37, %add3A_38 : i32
      %dma_wait3A_40 = arith.constant 0 : i32
      %dma_wait3A_41 = arith.constant 0 : i32
      %dma_wait3A_42 = tpu.memref_slice %arg2[%dma_wait3A_40, %dma_wait3A_41] : memref<10000x128xf32, #tpu.memory_space<hbm>> -> memref<10000x128xf32, #tpu.memory_space<hbm>>
      tpu.wait_indirect_dma semaphore(%arg9 : memref<!tpu.dma_semaphore, #tpu.memory_space<semaphore_mem>>) src(%dma_wait3A_42 : memref<10000x128xf32, #tpu.memory_space<hbm>>) dst(%arg7 : memref<400x128xf32, #tpu.memory_space<vmem>>)
      %mul3A_43 = arith.constant 400 : i32
      %mul3A_44 = arith.muli %add3A_39, %mul3A_43 : i32
      %add3A_45 = arith.addi %multiple_of3A, %mul3A_44 : i32
      %multiple_of3A_46 = tpu.assume_multiple %add3A_45, 8 : i32
      %dma_start3A_47 = arith.constant 0 : i32
      %dma_start3A_48 = tpu.memref_slice %arg4[%multiple_of3A_46, %dma_start3A_47] : memref<320000x128xf32, #tpu.memory_space<hbm>> -> memref<400x128xf32, #tpu.memory_space<hbm>>
      %dma_start3A_49 = arith.constant 0 : i32
      %dma_start3A_50 = tpu.memref_slice %arg4[%multiple_of3A_46, %dma_start3A_49] : memref<320000x128xf32, #tpu.memory_space<hbm>> -> memref<400x128xf32, #tpu.memory_space<hbm>>
      tpu.enqueue_dma source(%arg7 : memref<400x128xf32, #tpu.memory_space<vmem>>) target(%dma_start3A_50 : memref<400x128xf32, #tpu.memory_space<hbm>>) target_semaphore(%arg11 : memref<!tpu.dma_semaphore, #tpu.memory_space<semaphore_mem>>)
      %add3A_51 = arith.constant 2 : i32
      %add3A_52 = arith.addi %add3A_39, %add3A_51 : i32
      %lt3A = arith.constant 25 : i32
      %lt3A_53 = arith.cmpi slt, %add3A_52, %lt3A : i32
      %convert_element_type3A = arith.extui %lt3A_53 : i1 to i32
      %cond3A = arith.constant 0 : i32
      %cond3A_54 = arith.cmpi ne, %convert_element_type3A, %cond3A : i32
      scf.if %cond3A_54 {
        %mul3A_77 = arith.constant 400 : i32
        %mul3A_78 = arith.muli %add3A_39, %mul3A_77 : i32
        %add3A_79 = arith.addi %multiple_of3A, %mul3A_78 : i32
        %multiple_of3A_80 = tpu.assume_multiple %add3A_79, 8 : i32
        %dma_wait3A_81 = arith.constant 0 : i32
        %dma_wait3A_82 = tpu.memref_slice %arg4[%multiple_of3A_80, %dma_wait3A_81] : memref<320000x128xf32, #tpu.memory_space<hbm>> -> memref<400x128xf32, #tpu.memory_space<hbm>>
        %dma_wait3A_83 = arith.constant 0 : i32
        %dma_wait3A_84 = tpu.memref_slice %arg4[%multiple_of3A_80, %dma_wait3A_83] : memref<320000x128xf32, #tpu.memory_space<hbm>> -> memref<400x128xf32, #tpu.memory_space<hbm>>
        tpu.wait_dma2 semaphore(%arg11 : memref<!tpu.dma_semaphore, #tpu.memory_space<semaphore_mem>>) src(%arg7 : memref<400x128xf32, #tpu.memory_space<vmem>>) dst(%dma_wait3A_84 : memref<400x128xf32, #tpu.memory_space<hbm>>)
        %add3A_85 = arith.constant 2 : i32
        %add3A_86 = arith.addi %add3A_39, %add3A_85 : i32
        %mul3A_87 = arith.constant 400 : i32
        %mul3A_88 = arith.muli %add3A_86, %mul3A_87 : i32
        %add3A_89 = arith.addi %multiple_of3A, %mul3A_88 : i32
        %multiple_of3A_90 = tpu.assume_multiple %add3A_89, 8 : i32
        "tpu.region"() ({
          %run_scoped3A = tpu.sem_alloc : memref<!tpu.dma_semaphore, #tpu.memory_space<semaphore_mem>>
          %dma_start3A_94 = tpu.memref_slice %arg3[%multiple_of3A_90] : memref<320000xi32, #tpu.memory_space<hbm>> -> memref<400xi32, #tpu.memory_space<hbm>>
          %dma_start3A_95 = tpu.memref_slice %arg3[%multiple_of3A_90] : memref<320000xi32, #tpu.memory_space<hbm>> -> memref<400xi32, #tpu.memory_space<hbm>>
          tpu.enqueue_dma source(%dma_start3A_95 : memref<400xi32, #tpu.memory_space<hbm>>) target(%arg5 : memref<400xi32, #tpu.memory_space<vmem>>) target_semaphore(%run_scoped3A : memref<!tpu.dma_semaphore, #tpu.memory_space<semaphore_mem>>)
          %dma_wait3A_96 = tpu.memref_slice %arg3[%multiple_of3A_90] : memref<320000xi32, #tpu.memory_space<hbm>> -> memref<400xi32, #tpu.memory_space<hbm>>
          %dma_wait3A_97 = tpu.memref_slice %arg3[%multiple_of3A_90] : memref<320000xi32, #tpu.memory_space<hbm>> -> memref<400xi32, #tpu.memory_space<hbm>>
          tpu.wait_dma2 semaphore(%run_scoped3A : memref<!tpu.dma_semaphore, #tpu.memory_space<semaphore_mem>>) src(%dma_wait3A_97 : memref<400xi32, #tpu.memory_space<hbm>>) dst(%arg5 : memref<400xi32, #tpu.memory_space<vmem>>)
          tpu.yield
        }) : () -> ()
        %dma_start3A_91 = arith.constant 0 : i32
        %dma_start3A_92 = arith.constant 0 : i32
        %dma_start3A_93 = tpu.memref_slice %arg2[%dma_start3A_91, %dma_start3A_92] : memref<10000x128xf32, #tpu.memory_space<hbm>> -> memref<10000x128xf32, #tpu.memory_space<hbm>>
        tpu.enqueue_indirect_dma source(%dma_start3A_93 : memref<10000x128xf32, #tpu.memory_space<hbm>>) target(%arg7 : memref<400x128xf32, #tpu.memory_space<vmem>>) offsets(%arg5 : memref<400xi32, #tpu.memory_space<vmem>>) semaphore(%arg9 : memref<!tpu.dma_semaphore, #tpu.memory_space<semaphore_mem>>)
      } else {
      }
      %mul3A_55 = arith.constant 2 : i32
      %mul3A_56 = arith.muli %mul3A_55, %scan3A_35 : i32
      %add3A_57 = arith.constant 1 : i32
      %add3A_58 = arith.addi %mul3A_56, %add3A_57 : i32
      %dma_wait3A_59 = arith.constant 0 : i32
      %dma_wait3A_60 = arith.constant 0 : i32
      %dma_wait3A_61 = tpu.memref_slice %arg2[%dma_wait3A_59, %dma_wait3A_60] : memref<10000x128xf32, #tpu.memory_space<hbm>> -> memref<10000x128xf32, #tpu.memory_space<hbm>>
      tpu.wait_indirect_dma semaphore(%arg10 : memref<!tpu.dma_semaphore, #tpu.memory_space<semaphore_mem>>) src(%dma_wait3A_61 : memref<10000x128xf32, #tpu.memory_space<hbm>>) dst(%arg8 : memref<400x128xf32, #tpu.memory_space<vmem>>)
      %mul3A_62 = arith.constant 400 : i32
      %mul3A_63 = arith.muli %add3A_58, %mul3A_62 : i32
      %add3A_64 = arith.addi %multiple_of3A, %mul3A_63 : i32
      %multiple_of3A_65 = tpu.assume_multiple %add3A_64, 8 : i32
      %dma_start3A_66 = arith.constant 0 : i32
      %dma_start3A_67 = tpu.memref_slice %arg4[%multiple_of3A_65, %dma_start3A_66] : memref<320000x128xf32, #tpu.memory_space<hbm>> -> memref<400x128xf32, #tpu.memory_space<hbm>>
      %dma_start3A_68 = arith.constant 0 : i32
      %dma_start3A_69 = tpu.memref_slice %arg4[%multiple_of3A_65, %dma_start3A_68] : memref<320000x128xf32, #tpu.memory_space<hbm>> -> memref<400x128xf32, #tpu.memory_space<hbm>>
      tpu.enqueue_dma source(%arg8 : memref<400x128xf32, #tpu.memory_space<vmem>>) target(%dma_start3A_69 : memref<400x128xf32, #tpu.memory_space<hbm>>) target_semaphore(%arg12 : memref<!tpu.dma_semaphore, #tpu.memory_space<semaphore_mem>>)
      %add3A_70 = arith.constant 2 : i32
      %add3A_71 = arith.addi %add3A_58, %add3A_70 : i32
      %lt3A_72 = arith.constant 25 : i32
      %lt3A_73 = arith.cmpi slt, %add3A_71, %lt3A_72 : i32
      %convert_element_type3A_74 = arith.extui %lt3A_73 : i1 to i32
      %cond3A_75 = arith.constant 0 : i32
      %cond3A_76 = arith.cmpi ne, %convert_element_type3A_74, %cond3A_75 : i32
      scf.if %cond3A_76 {
        %mul3A_77 = arith.constant 400 : i32
        %mul3A_78 = arith.muli %add3A_58, %mul3A_77 : i32
        %add3A_79 = arith.addi %multiple_of3A, %mul3A_78 : i32
        %multiple_of3A_80 = tpu.assume_multiple %add3A_79, 8 : i32
        %dma_wait3A_81 = arith.constant 0 : i32
        %dma_wait3A_82 = tpu.memref_slice %arg4[%multiple_of3A_80, %dma_wait3A_81] : memref<320000x128xf32, #tpu.memory_space<hbm>> -> memref<400x128xf32, #tpu.memory_space<hbm>>
        %dma_wait3A_83 = arith.constant 0 : i32
        %dma_wait3A_84 = tpu.memref_slice %arg4[%multiple_of3A_80, %dma_wait3A_83] : memref<320000x128xf32, #tpu.memory_space<hbm>> -> memref<400x128xf32, #tpu.memory_space<hbm>>
        tpu.wait_dma2 semaphore(%arg12 : memref<!tpu.dma_semaphore, #tpu.memory_space<semaphore_mem>>) src(%arg8 : memref<400x128xf32, #tpu.memory_space<vmem>>) dst(%dma_wait3A_84 : memref<400x128xf32, #tpu.memory_space<hbm>>)
        %add3A_85 = arith.constant 2 : i32
        %add3A_86 = arith.addi %add3A_58, %add3A_85 : i32
        %mul3A_87 = arith.constant 400 : i32
        %mul3A_88 = arith.muli %add3A_86, %mul3A_87 : i32
        %add3A_89 = arith.addi %multiple_of3A, %mul3A_88 : i32
        %multiple_of3A_90 = tpu.assume_multiple %add3A_89, 8 : i32
        "tpu.region"() ({
          %run_scoped3A = tpu.sem_alloc : memref<!tpu.dma_semaphore, #tpu.memory_space<semaphore_mem>>
          %dma_start3A_94 = tpu.memref_slice %arg3[%multiple_of3A_90] : memref<320000xi32, #tpu.memory_space<hbm>> -> memref<400xi32, #tpu.memory_space<hbm>>
          %dma_start3A_95 = tpu.memref_slice %arg3[%multiple_of3A_90] : memref<320000xi32, #tpu.memory_space<hbm>> -> memref<400xi32, #tpu.memory_space<hbm>>
          tpu.enqueue_dma source(%dma_start3A_95 : memref<400xi32, #tpu.memory_space<hbm>>) target(%arg6 : memref<400xi32, #tpu.memory_space<vmem>>) target_semaphore(%run_scoped3A : memref<!tpu.dma_semaphore, #tpu.memory_space<semaphore_mem>>)
          %dma_wait3A_96 = tpu.memref_slice %arg3[%multiple_of3A_90] : memref<320000xi32, #tpu.memory_space<hbm>> -> memref<400xi32, #tpu.memory_space<hbm>>
          %dma_wait3A_97 = tpu.memref_slice %arg3[%multiple_of3A_90] : memref<320000xi32, #tpu.memory_space<hbm>> -> memref<400xi32, #tpu.memory_space<hbm>>
          tpu.wait_dma2 semaphore(%run_scoped3A : memref<!tpu.dma_semaphore, #tpu.memory_space<semaphore_mem>>) src(%dma_wait3A_97 : memref<400xi32, #tpu.memory_space<hbm>>) dst(%arg6 : memref<400xi32, #tpu.memory_space<vmem>>)
          tpu.yield
        }) : () -> ()
        %dma_start3A_91 = arith.constant 0 : i32
        %dma_start3A_92 = arith.constant 0 : i32
        %dma_start3A_93 = tpu.memref_slice %arg2[%dma_start3A_91, %dma_start3A_92] : memref<10000x128xf32, #tpu.memory_space<hbm>> -> memref<10000x128xf32, #tpu.memory_space<hbm>>
        tpu.enqueue_indirect_dma source(%dma_start3A_93 : memref<10000x128xf32, #tpu.memory_space<hbm>>) target(%arg8 : memref<400x128xf32, #tpu.memory_space<vmem>>) offsets(%arg6 : memref<400xi32, #tpu.memory_space<vmem>>) semaphore(%arg10 : memref<!tpu.dma_semaphore, #tpu.memory_space<semaphore_mem>>)
      } else {
      }
    }
    %scan3A_17 = arith.constant 12 : i32
    %dma_wait3A = arith.constant 0 : i32
    %dma_wait3A_18 = arith.constant 0 : i32
    %dma_wait3A_19 = tpu.memref_slice %arg2[%dma_wait3A, %dma_wait3A_18] : memref<10000x128xf32, #tpu.memory_space<hbm>> -> memref<10000x128xf32, #tpu.memory_space<hbm>>
    tpu.wait_indirect_dma semaphore(%arg9 : memref<!tpu.dma_semaphore, #tpu.memory_space<semaphore_mem>>) src(%dma_wait3A_19 : memref<10000x128xf32, #tpu.memory_space<hbm>>) dst(%arg7 : memref<400x128xf32, #tpu.memory_space<vmem>>)
    %add3A_20 = arith.constant 9600 : i32
    %add3A_21 = arith.addi %multiple_of3A, %add3A_20 : i32
    %multiple_of3A_22 = tpu.assume_multiple %add3A_21, 8 : i32
    %dma_start3A_23 = arith.constant 0 : i32
    %dma_start3A_24 = tpu.memref_slice %arg4[%multiple_of3A_22, %dma_start3A_23] : memref<320000x128xf32, #tpu.memory_space<hbm>> -> memref<400x128xf32, #tpu.memory_space<hbm>>
    %dma_start3A_25 = arith.constant 0 : i32
    %dma_start3A_26 = tpu.memref_slice %arg4[%multiple_of3A_22, %dma_start3A_25] : memref<320000x128xf32, #tpu.memory_space<hbm>> -> memref<400x128xf32, #tpu.memory_space<hbm>>
    tpu.enqueue_dma source(%arg7 : memref<400x128xf32, #tpu.memory_space<vmem>>) target(%dma_start3A_26 : memref<400x128xf32, #tpu.memory_space<hbm>>) target_semaphore(%arg11 : memref<!tpu.dma_semaphore, #tpu.memory_space<semaphore_mem>>)
    %dma_wait3A_27 = arith.constant 0 : i32
    %dma_wait3A_28 = tpu.memref_slice %arg4[%multiple_of3A, %dma_wait3A_27] : memref<320000x128xf32, #tpu.memory_space<hbm>> -> memref<400x128xf32, #tpu.memory_space<hbm>>
    %dma_wait3A_29 = arith.constant 0 : i32
    %dma_wait3A_30 = tpu.memref_slice %arg4[%multiple_of3A, %dma_wait3A_29] : memref<320000x128xf32, #tpu.memory_space<hbm>> -> memref<400x128xf32, #tpu.memory_space<hbm>>
    tpu.wait_dma2 semaphore(%arg11 : memref<!tpu.dma_semaphore, #tpu.memory_space<semaphore_mem>>) src(%arg7 : memref<400x128xf32, #tpu.memory_space<vmem>>) dst(%dma_wait3A_30 : memref<400x128xf32, #tpu.memory_space<hbm>>)
    %dma_wait3A_31 = arith.constant 0 : i32
    %dma_wait3A_32 = tpu.memref_slice %arg4[%multiple_of3A, %dma_wait3A_31] : memref<320000x128xf32, #tpu.memory_space<hbm>> -> memref<400x128xf32, #tpu.memory_space<hbm>>
    %dma_wait3A_33 = arith.constant 0 : i32
    %dma_wait3A_34 = tpu.memref_slice %arg4[%multiple_of3A, %dma_wait3A_33] : memref<320000x128xf32, #tpu.memory_space<hbm>> -> memref<400x128xf32, #tpu.memory_space<hbm>>
    tpu.wait_dma2 semaphore(%arg12 : memref<!tpu.dma_semaphore, #tpu.memory_space<semaphore_mem>>) src(%arg8 : memref<400x128xf32, #tpu.memory_space<vmem>>) dst(%dma_wait3A_34 : memref<400x128xf32, #tpu.memory_space<hbm>>)
    return
  }
}

module attributes {stable_mosaic.version = 14 : i64} {
  func.func @_center_body(%arg0: memref<10000x128xf32, #tpu.memory_space<vmem>>, %arg1: memref<128x256xf32, #tpu.memory_space<vmem>>, %arg2: memref<1x256xf32, #tpu.memory_space<vmem>>, %arg3: memref<10000x256xbf16, #tpu.memory_space<vmem>>) attributes {dimension_semantics = [], scalar_prefetch = 0 : i64, scratch_operands = 0 : i64, tpu.core_type = #tpu.core_type<tc>} {
    %get3A = arith.constant 0 : index
    %get3A_0 = arith.constant 0 : index
    %get3A_1 = vector.load %arg0[%get3A, %get3A_0] : memref<10000x128xf32, #tpu.memory_space<vmem>>, vector<10000x128xf32>
    %get3A_2 = arith.constant 0 : index
    %get3A_3 = arith.constant 0 : index
    %get3A_4 = vector.load %arg1[%get3A_2, %get3A_3] : memref<128x256xf32, #tpu.memory_space<vmem>>, vector<128x256xf32>
    %dot_general3A = arith.constant dense<0.000000e+00> : vector<10000x256xf32>
    %dot_general3A_5 = tpu.matmul %get3A_1, %get3A_4, %dot_general3A {dimension_numbers = #tpu.dot_dimension_numbers<[1], [0], [0], [1], [0, 0, 1, 1], [], []>, transpose_lhs_hint = false} : vector<10000x128xf32>, vector<128x256xf32>, vector<10000x256xf32> -> vector<10000x256xf32>
    %get3A_6 = arith.constant 0 : index
    %get3A_7 = arith.constant 0 : index
    %get3A_8 = vector.load %arg2[%get3A_6, %get3A_7] : memref<1x256xf32, #tpu.memory_space<vmem>>, vector<1x256xf32>
    %add3A = vector.broadcast %get3A_8 : vector<1x256xf32> to vector<10000x256xf32>
    %add3A_9 = arith.addf %dot_general3A_5, %add3A : vector<10000x256xf32>
    %convert_element_type3A = arith.truncf %add3A_9 : vector<10000x256xf32> to vector<10000x256xbf16>
    %swap3A = arith.constant 0 : index
    %swap3A_10 = arith.constant 0 : index
    %swap3A_11 = vector.load %arg3[%swap3A, %swap3A_10] : memref<10000x256xbf16, #tpu.memory_space<vmem>>, vector<10000x256xbf16>
    tpu.vector_store %arg3[%swap3A, %swap3A_10], %convert_element_type3A {strides = array<i32>} : memref<10000x256xbf16, #tpu.memory_space<vmem>>, vector<10000x256xbf16>,
    return
  }
}

module attributes {stable_mosaic.version = 14 : i64} {
  func.func @_fused_body(%arg0: i32, %arg1: memref<6400x128xf32, #tpu.memory_space<vmem>>, %arg2: memref<6400x16xbf16, #tpu.memory_space<vmem>>, %arg3: memref<200x256xbf16, #tpu.memory_space<vmem>>, %arg4: memref<200x32xf32, #tpu.memory_space<vmem>>, %arg5: memref<2000x128xf32, #tpu.memory_space<vmem>>, %arg6: memref<128x256xbf16, #tpu.memory_space<vmem>>, %arg7: memref<16x256xbf16, #tpu.memory_space<vmem>>, %arg8: memref<1x256xf32, #tpu.memory_space<vmem>>, %arg9: memref<1x256xf32, #tpu.memory_space<vmem>>, %arg10: memref<1x128xf32, #tpu.memory_space<vmem>>, %arg11: memref<1x128xf32, #tpu.memory_space<vmem>>, %arg12: memref<128x128xf32, #tpu.memory_space<vmem>>, %arg13: memref<1x128xf32, #tpu.memory_space<vmem>>, %arg14: memref<2000x128xf32, #tpu.memory_space<vmem>>, %arg15: memref<8x256xf32, #tpu.memory_space<vmem>>, %arg16: memref<8x128xf32, #tpu.memory_space<vmem>>, %arg17: memref<128x256xbf16, #tpu.memory_space<vmem>>, %arg18: memref<16x256xbf16, #tpu.memory_space<vmem>>, %arg19: memref<10000x128xf32, #tpu.memory_space<vmem>>) attributes {dimension_semantics = [#tpu.dimension_semantics<arbitrary>], iteration_bounds = array<i64: 105>, scalar_prefetch = 0 : i64, scratch_operands = 5 : i64, tpu.core_type = #tpu.core_type<tc>, window_params = [{transform_indices = @transform_0, window_bounds = array<i64: 6400, 128>}, {transform_indices = @transform_1, window_bounds = array<i64: 6400, 16>}, {transform_indices = @transform_2, window_bounds = array<i64: 200, 256>}, {transform_indices = @transform_3, window_bounds = array<i64: 200, 32>}, {transform_indices = @transform_4, window_bounds = array<i64: 2000, 128>}, {pipeline_mode = #tpu.pipeline_mode<synchronous>, transform_indices = @transform_5, window_bounds = array<i64: 128, 256>}, {pipeline_mode = #tpu.pipeline_mode<synchronous>, transform_indices = @transform_6, window_bounds = array<i64: 16, 256>}, {pipeline_mode = #tpu.pipeline_mode<synchronous>, transform_indices = @transform_7, window_bounds = array<i64: 1, 256>}, {pipeline_mode = #tpu.pipeline_mode<synchronous>, transform_indices = @transform_8, window_bounds = array<i64: 1, 256>}, {pipeline_mode = #tpu.pipeline_mode<synchronous>, transform_indices = @transform_9, window_bounds = array<i64: 1, 128>}, {pipeline_mode = #tpu.pipeline_mode<synchronous>, transform_indices = @transform_10, window_bounds = array<i64: 1, 128>}, {pipeline_mode = #tpu.pipeline_mode<synchronous>, transform_indices = @transform_11, window_bounds = array<i64: 128, 128>}, {pipeline_mode = #tpu.pipeline_mode<synchronous>, transform_indices = @transform_12, window_bounds = array<i64: 1, 128>}, {transform_indices = @transform_13, window_bounds = array<i64: 2000, 128>}]} {
    %eq3A = arith.constant 0 : i32
    %eq3A_0 = arith.cmpi eq, %arg0, %eq3A : i32
    %convert_element_type3A = arith.extui %eq3A_0 : i1 to i32
    %cond3A = arith.constant 0 : i32
    %cond3A_1 = arith.cmpi ne, %convert_element_type3A, %cond3A : i32
    scf.if %cond3A_1 {
      %broadcast_in_dim3A = arith.constant 0.000000e+00 : f32
      %broadcast_in_dim3A_17 = vector.broadcast %broadcast_in_dim3A : f32 to vector<8x256xf32>
      %swap3A = arith.constant 0 : index
      %swap3A_18 = arith.constant 0 : index
      %swap3A_19 = vector.load %arg15[%swap3A, %swap3A_18] : memref<8x256xf32, #tpu.memory_space<vmem>>, vector<8x256xf32>
      tpu.vector_store %arg15[%swap3A, %swap3A_18], %broadcast_in_dim3A_17 {strides = array<i32>} : memref<8x256xf32, #tpu.memory_space<vmem>>, vector<8x256xf32>,
      %broadcast_in_dim3A_20 = arith.constant 0.000000e+00 : f32
      %broadcast_in_dim3A_21 = vector.broadcast %broadcast_in_dim3A_20 : f32 to vector<8x128xf32>
      %swap3A_22 = arith.constant 0 : index
      %swap3A_23 = arith.constant 0 : index
      %swap3A_24 = vector.load %arg16[%swap3A_22, %swap3A_23] : memref<8x128xf32, #tpu.memory_space<vmem>>, vector<8x128xf32>
      tpu.vector_store %arg16[%swap3A_22, %swap3A_23], %broadcast_in_dim3A_21 {strides = array<i32>} : memref<8x128xf32, #tpu.memory_space<vmem>>, vector<8x128xf32>,
    } else {
    }
    %lt3A = arith.constant 50 : i32
    %lt3A_2 = arith.cmpi slt, %arg0, %lt3A : i32
    %convert_element_type3A_3 = arith.extui %lt3A_2 : i1 to i32
    %cond3A_4 = arith.constant 0 : i32
    %cond3A_5 = arith.cmpi ne, %convert_element_type3A_3, %cond3A_4 : i32
    scf.if %cond3A_5 {
      %get3A = arith.constant 0 : index
      %get3A_17 = arith.constant 0 : index
      %get3A_18 = vector.load %arg3[%get3A, %get3A_17] : memref<200x256xbf16, #tpu.memory_space<vmem>>, vector<200x256xbf16>
      %convert_element_type3A_19 = arith.extf %get3A_18 : vector<200x256xbf16> to vector<200x256xf32>
      %get3A_20 = arith.constant 0 : index
      %get3A_21 = arith.constant 0 : index
      %get3A_22 = vector.load %arg2[%get3A_20, %get3A_21] : memref<6400x16xbf16, #tpu.memory_space<vmem>>, vector<6400x16xbf16>
      %get3A_23 = arith.constant 0 : index
      %get3A_24 = arith.constant 0 : index
      %get3A_25 = vector.load %arg1[%get3A_23, %get3A_24] : memref<6400x128xf32, #tpu.memory_space<vmem>>, vector<6400x128xf32>
      %get3A_26 = arith.constant 0 : index
      %get3A_27 = arith.constant 0 : index
      %get3A_28 = vector.load %arg6[%get3A_26, %get3A_27] : memref<128x256xbf16, #tpu.memory_space<vmem>>, vector<128x256xbf16>
      %get3A_29 = arith.constant 0 : index
      %get3A_30 = arith.constant 0 : index
      %get3A_31 = vector.load %arg7[%get3A_29, %get3A_30] : memref<16x256xbf16, #tpu.memory_space<vmem>>, vector<16x256xbf16>
      %convert_element_type3A_32 = arith.truncf %get3A_25 : vector<6400x128xf32> to vector<6400x128xbf16>
      %dot_general3A = arith.constant dense<0.000000e+00> : vector<6400x256xf32>
      %dot_general3A_33 = tpu.matmul %convert_element_type3A_32, %get3A_28, %dot_general3A {dimension_numbers = #tpu.dot_dimension_numbers<[1], [0], [0], [1], [0, 0, 1, 1], [], []>, transpose_lhs_hint = false} : vector<6400x128xbf16>, vector<128x256xbf16>, vector<6400x256xf32> -> vector<6400x256xf32>
      %dot_general3A_34 = arith.constant dense<0.000000e+00> : vector<6400x256xf32>
      %dot_general3A_35 = tpu.matmul %get3A_22, %get3A_31, %dot_general3A_34 {dimension_numbers = #tpu.dot_dimension_numbers<[1], [0], [0], [1], [0, 0, 1, 1], [], []>, transpose_lhs_hint = false} : vector<6400x16xbf16>, vector<16x256xbf16>, vector<6400x256xf32> -> vector<6400x256xf32>
      %add3A = arith.addf %dot_general3A_33, %dot_general3A_35 : vector<6400x256xf32>
      %reshape3A = vector.shape_cast %add3A : vector<6400x256xf32> to vector<200x32x256xf32>
      %reduce_sum3A = arith.constant dense<0.000000e+00> : vector<200x256xf32>
      %reduce_sum3A_36 = vector.multi_reduction <add>, %reshape3A, %reduce_sum3A [1] : vector<200x32x256xf32> to vector<200x256xf32>
      %reduce_sum3A_37 = arith.constant dense<0.000000e+00> : vector<256xf32>
      %reduce_sum3A_38 = vector.multi_reduction <add>, %reduce_sum3A_36, %reduce_sum3A_37 [0] : vector<200x256xf32> to vector<256xf32>
      %reduce_sum3A_39 = arith.constant dense<0.000000e+00> : vector<256xf32>
      %reduce_sum3A_40 = vector.multi_reduction <add>, %convert_element_type3A_19, %reduce_sum3A_39 [0] : vector<200x256xf32> to vector<256xf32>
      %mul3A = arith.constant 3.200000e+01 : f32
      %mul3A_41 = vector.broadcast %mul3A : f32 to vector<256xf32>
      %mul3A_42 = arith.mulf %mul3A_41, %reduce_sum3A_40 : vector<256xf32>
      %add3A_43 = arith.addf %reduce_sum3A_38, %mul3A_42 : vector<256xf32>
      %mul3A_44 = arith.mulf %add3A, %add3A : vector<6400x256xf32>
      %reduce_sum3A_45 = arith.constant dense<0.000000e+00> : vector<256xf32>
      %reduce_sum3A_46 = vector.multi_reduction <add>, %mul3A_44, %reduce_sum3A_45 [0] : vector<6400x256xf32> to vector<256xf32>
      %mul3A_47 = arith.mulf %convert_element_type3A_19, %reduce_sum3A_36 : vector<200x256xf32>
      %reduce_sum3A_48 = arith.constant dense<0.000000e+00> : vector<256xf32>
      %reduce_sum3A_49 = vector.multi_reduction <add>, %mul3A_47, %reduce_sum3A_48 [0] : vector<200x256xf32> to vector<256xf32>
      %mul3A_50 = arith.constant 2.000000e+00 : f32
      %mul3A_51 = vector.broadcast %mul3A_50 : f32 to vector<256xf32>
      %mul3A_52 = arith.mulf %mul3A_51, %reduce_sum3A_49 : vector<256xf32>
      %add3A_53 = arith.addf %reduce_sum3A_46, %mul3A_52 : vector<256xf32>
      %mul3A_54 = arith.mulf %convert_element_type3A_19, %convert_element_type3A_19 : vector<200x256xf32>
      %reduce_sum3A_55 = arith.constant dense<0.000000e+00> : vector<256xf32>
      %reduce_sum3A_56 = vector.multi_reduction <add>, %mul3A_54, %reduce_sum3A_55 [0] : vector<200x256xf32> to vector<256xf32>
      %mul3A_57 = arith.constant 3.200000e+01 : f32
      %mul3A_58 = vector.broadcast %mul3A_57 : f32 to vector<256xf32>
      %mul3A_59 = arith.mulf %mul3A_58, %reduce_sum3A_56 : vector<256xf32>
      %add3A_60 = arith.addf %add3A_53, %mul3A_59 : vector<256xf32>
      %get3A_61 = arith.constant 0 : index
      %get3A_62 = arith.constant 0 : index
      %get3A_63 = vector.load %arg15[%get3A_61, %get3A_62] : memref<8x256xf32, #tpu.memory_space<vmem>>, vector<1x256xf32>
      %reshape3A_64 = vector.shape_cast %add3A_43 : vector<256xf32> to vector<1x256xf32>
      %add3A_65 = arith.addf %get3A_63, %reshape3A_64 : vector<1x256xf32>
      %swap3A = arith.constant 0 : index
      %swap3A_66 = arith.constant 0 : index
      %swap3A_67 = vector.load %arg15[%swap3A, %swap3A_66] : memref<8x256xf32, #tpu.memory_space<vmem>>, vector<1x256xf32>
      tpu.vector_store %arg15[%swap3A, %swap3A_66], %add3A_65 {strides = array<i32>} : memref<8x256xf32, #tpu.memory_space<vmem>>, vector<1x256xf32>,
      %get3A_68 = arith.constant 1 : index
      %get3A_69 = arith.constant 0 : index
      %get3A_70 = vector.load %arg15[%get3A_68, %get3A_69] : memref<8x256xf32, #tpu.memory_space<vmem>>, vector<1x256xf32>
      %reshape3A_71 = vector.shape_cast %add3A_60 : vector<256xf32> to vector<1x256xf32>
      %add3A_72 = arith.addf %get3A_70, %reshape3A_71 : vector<1x256xf32>
      %swap3A_73 = arith.constant 1 : index
      %swap3A_74 = arith.constant 0 : index
      %swap3A_75 = vector.load %arg15[%swap3A_73, %swap3A_74] : memref<8x256xf32, #tpu.memory_space<vmem>>, vector<1x256xf32>
      tpu.vector_store %arg15[%swap3A_73, %swap3A_74], %add3A_72 {strides = array<i32>} : memref<8x256xf32, #tpu.memory_space<vmem>>, vector<1x256xf32>,
    } else {
    }
    %ge3A = arith.constant 50 : i32
    %ge3A_6 = arith.cmpi sge, %arg0, %ge3A : i32
    %lt3A_7 = arith.constant 100 : i32
    %lt3A_8 = arith.cmpi slt, %arg0, %lt3A_7 : i32
    %and3A = arith.andi %ge3A_6, %lt3A_8 : i1
    %convert_element_type3A_9 = arith.extui %and3A : i1 to i32
    %cond3A_10 = arith.constant 0 : i32
    %cond3A_11 = arith.cmpi ne, %convert_element_type3A_9, %cond3A_10 : i32
    scf.if %cond3A_11 {
      %get3A = arith.constant 0 : index
      %get3A_17 = arith.constant 0 : index
      %get3A_18 = vector.load %arg3[%get3A, %get3A_17] : memref<200x256xbf16, #tpu.memory_space<vmem>>, vector<200x256xbf16>
      %convert_element_type3A_19 = arith.extf %get3A_18 : vector<200x256xbf16> to vector<200x256xf32>
      %get3A_20 = arith.constant 0 : index
      %get3A_21 = arith.constant 0 : index
      %get3A_22 = vector.load %arg15[%get3A_20, %get3A_21] : memref<8x256xf32, #tpu.memory_space<vmem>>, vector<1x256xf32>
      %div3A = arith.constant 3.200000e+05 : f32
      %div3A_23 = vector.broadcast %div3A : f32 to vector<1x256xf32>
      %div3A_24 = arith.divf %get3A_22, %div3A_23 : vector<1x256xf32>
      %get3A_25 = arith.constant 1 : index
      %get3A_26 = arith.constant 0 : index
      %get3A_27 = vector.load %arg15[%get3A_25, %get3A_26] : memref<8x256xf32, #tpu.memory_space<vmem>>, vector<1x256xf32>
      %div3A_28 = arith.constant 3.200000e+05 : f32
      %div3A_29 = vector.broadcast %div3A_28 : f32 to vector<1x256xf32>
      %div3A_30 = arith.divf %get3A_27, %div3A_29 : vector<1x256xf32>
      %mul3A = arith.mulf %div3A_24, %div3A_24 : vector<1x256xf32>
      %sub3A = arith.subf %div3A_30, %mul3A : vector<1x256xf32>
      %add3A = arith.constant 9.99999974E-6 : f32
      %add3A_31 = vector.broadcast %add3A : f32 to vector<1x256xf32>
      %add3A_32 = arith.addf %sub3A, %add3A_31 : vector<1x256xf32>
      %rsqrt3A = math.rsqrt %add3A_32 : vector<1x256xf32>
      %get3A_33 = arith.constant 0 : index
      %get3A_34 = arith.constant 0 : index
      %get3A_35 = vector.load %arg8[%get3A_33, %get3A_34] : memref<1x256xf32, #tpu.memory_space<vmem>>, vector<1x256xf32>
      %mul3A_36 = arith.mulf %get3A_35, %rsqrt3A : vector<1x256xf32>
      %get3A_37 = arith.constant 0 : index
      %get3A_38 = arith.constant 0 : index
      %get3A_39 = vector.load %arg9[%get3A_37, %get3A_38] : memref<1x256xf32, #tpu.memory_space<vmem>>, vector<1x256xf32>
      %mul3A_40 = arith.mulf %div3A_24, %mul3A_36 : vector<1x256xf32>
      %sub3A_41 = arith.subf %get3A_39, %mul3A_40 : vector<1x256xf32>
      %eq3A_42 = arith.constant 50 : i32
      %eq3A_43 = arith.cmpi eq, %arg0, %eq3A_42 : i32
      %convert_element_type3A_44 = arith.extui %eq3A_43 : i1 to i32
      %cond3A_45 = arith.constant 0 : i32
      %cond3A_46 = arith.cmpi ne, %convert_element_type3A_44, %cond3A_45 : i32
      scf.if %cond3A_46 {
        %get3A_121 = arith.constant 0 : index
        %get3A_122 = arith.constant 0 : index
        %get3A_123 = vector.load %arg6[%get3A_121, %get3A_122] : memref<128x256xbf16, #tpu.memory_space<vmem>>, vector<128x256xbf16>
        %convert_element_type3A_124 = arith.truncf %mul3A_36 : vector<1x256xf32> to vector<1x256xbf16>
        %mul3A_125 = vector.broadcast %convert_element_type3A_124 : vector<1x256xbf16> to vector<128x256xbf16>
        %mul3A_126 = arith.mulf %get3A_123, %mul3A_125 : vector<128x256xbf16>
        %swap3A_127 = arith.constant 0 : index
        %swap3A_128 = arith.constant 0 : index
        %swap3A_129 = vector.load %arg17[%swap3A_127, %swap3A_128] : memref<128x256xbf16, #tpu.memory_space<vmem>>, vector<128x256xbf16>
        tpu.vector_store %arg17[%swap3A_127, %swap3A_128], %mul3A_126 {strides = array<i32>} : memref<128x256xbf16, #tpu.memory_space<vmem>>, vector<128x256xbf16>,
        %get3A_130 = arith.constant 0 : index
        %get3A_131 = arith.constant 0 : index
        %get3A_132 = vector.load %arg7[%get3A_130, %get3A_131] : memref<16x256xbf16, #tpu.memory_space<vmem>>, vector<16x256xbf16>
        %convert_element_type3A_133 = arith.truncf %mul3A_36 : vector<1x256xf32> to vector<1x256xbf16>
        %mul3A_134 = vector.broadcast %convert_element_type3A_133 : vector<1x256xbf16> to vector<16x256xbf16>
        %mul3A_135 = arith.mulf %get3A_132, %mul3A_134 : vector<16x256xbf16>
        %swap3A_136 = arith.constant 0 : index
        %swap3A_137 = arith.constant 0 : index
        %swap3A_138 = vector.load %arg18[%swap3A_136, %swap3A_137] : memref<16x256xbf16, #tpu.memory_space<vmem>>, vector<16x256xbf16>
        tpu.vector_store %arg18[%swap3A_136, %swap3A_137], %mul3A_135 {strides = array<i32>} : memref<16x256xbf16, #tpu.memory_space<vmem>>, vector<16x256xbf16>,
      } else {
      }
      %get3A_47 = arith.constant 0 : index
      %get3A_48 = arith.constant 0 : index
      %get3A_49 = vector.load %arg2[%get3A_47, %get3A_48] : memref<6400x16xbf16, #tpu.memory_space<vmem>>, vector<6400x16xbf16>
      %get3A_50 = arith.constant 0 : index
      %get3A_51 = arith.constant 0 : index
      %get3A_52 = vector.load %arg1[%get3A_50, %get3A_51] : memref<6400x128xf32, #tpu.memory_space<vmem>>, vector<6400x128xf32>
      %get3A_53 = arith.constant 0 : index
      %get3A_54 = arith.constant 0 : index
      %get3A_55 = vector.load %arg17[%get3A_53, %get3A_54] : memref<128x256xbf16, #tpu.memory_space<vmem>>, vector<128x256xbf16>
      %get3A_56 = arith.constant 0 : index
      %get3A_57 = arith.constant 0 : index
      %get3A_58 = vector.load %arg18[%get3A_56, %get3A_57] : memref<16x256xbf16, #tpu.memory_space<vmem>>, vector<16x256xbf16>
      %convert_element_type3A_59 = arith.truncf %get3A_52 : vector<6400x128xf32> to vector<6400x128xbf16>
      %dot_general3A = arith.constant dense<0.000000e+00> : vector<6400x256xf32>
      %dot_general3A_60 = tpu.matmul %convert_element_type3A_59, %get3A_55, %dot_general3A {dimension_numbers = #tpu.dot_dimension_numbers<[1], [0], [0], [1], [0, 0, 1, 1], [], []>, transpose_lhs_hint = false} : vector<6400x128xbf16>, vector<128x256xbf16>, vector<6400x256xf32> -> vector<6400x256xf32>
      %dot_general3A_61 = arith.constant dense<0.000000e+00> : vector<6400x256xf32>
      %dot_general3A_62 = tpu.matmul %get3A_49, %get3A_58, %dot_general3A_61 {dimension_numbers = #tpu.dot_dimension_numbers<[1], [0], [0], [1], [0, 0, 1, 1], [], []>, transpose_lhs_hint = false} : vector<6400x16xbf16>, vector<16x256xbf16>, vector<6400x256xf32> -> vector<6400x256xf32>
      %add3A_63 = arith.addf %dot_general3A_60, %dot_general3A_62 : vector<6400x256xf32>
      %mul3A_64 = vector.broadcast %mul3A_36 : vector<1x256xf32> to vector<200x256xf32>
      %mul3A_65 = arith.mulf %convert_element_type3A_19, %mul3A_64 : vector<200x256xf32>
      %add3A_66 = vector.broadcast %sub3A_41 : vector<1x256xf32> to vector<200x256xf32>
      %add3A_67 = arith.addf %mul3A_65, %add3A_66 : vector<200x256xf32>
      %reshape3A = vector.shape_cast %add3A_63 : vector<6400x256xf32> to vector<200x32x256xf32>
      %broadcast_in_dim3A = vector.shape_cast %add3A_67 : vector<200x256xf32> to vector<200x1x256xf32>
      %add3A_68 = vector.broadcast %broadcast_in_dim3A : vector<200x1x256xf32> to vector<200x32x256xf32>
      %add3A_69 = arith.addf %reshape3A, %add3A_68 : vector<200x32x256xf32>
      %slice3A = vector.extract_strided_slice %add3A_69 {offsets = [0, 0, 0], sizes = [200, 32, 128], strides = [1, 1, 1]} : vector<200x32x256xf32> to vector<200x32x128xf32>
      %mul3A_70 = arith.constant 5.000000e-01 : f32
      %mul3A_71 = vector.broadcast %mul3A_70 : f32 to vector<200x32x128xf32>
      %mul3A_72 = arith.mulf %mul3A_71, %slice3A : vector<200x32x128xf32>
      %tanh3A = math.tanh %mul3A_72 : vector<200x32x128xf32>
      %mul3A_73 = arith.constant 5.000000e-01 : f32
      %mul3A_74 = vector.broadcast %mul3A_73 : f32 to vector<200x32x128xf32>
      %mul3A_75 = arith.mulf %mul3A_74, %tanh3A : vector<200x32x128xf32>
      %add3A_76 = arith.constant 5.000000e-01 : f32
      %add3A_77 = vector.broadcast %add3A_76 : f32 to vector<200x32x128xf32>
      %add3A_78 = arith.addf %mul3A_75, %add3A_77 : vector<200x32x128xf32>
      %slice3A_79 = vector.extract_strided_slice %add3A_69 {offsets = [0, 0, 128], sizes = [200, 32, 128], strides = [1, 1, 1]} : vector<200x32x256xf32> to vector<200x32x128xf32>
      %max3A = arith.constant 0.000000e+00 : f32
      %max3A_80 = vector.broadcast %max3A : f32 to vector<200x32x128xf32>
      %max3A_81 = arith.maximumf %slice3A_79, %max3A_80 : vector<200x32x128xf32>
      %abs3A = math.absf %slice3A_79 : vector<200x32x128xf32>
      %neg3A = arith.constant 0.000000e+00 : f32
      %neg3A_82 = vector.broadcast %neg3A : f32 to vector<200x32x128xf32>
      %neg3A_83 = arith.subf %neg3A_82, %abs3A : vector<200x32x128xf32>
      %exp3A = math.exp %neg3A_83 : vector<200x32x128xf32>
      %log1p3A = math.log1p %exp3A : vector<200x32x128xf32>
      %add3A_84 = arith.addf %max3A_81, %log1p3A : vector<200x32x128xf32>
      %get3A_85 = arith.constant 0 : index
      %get3A_86 = arith.constant 0 : index
      %get3A_87 = vector.load %arg4[%get3A_85, %get3A_86] : memref<200x32xf32, #tpu.memory_space<vmem>>, vector<200x32xf32>
      %mul3A_88 = arith.mulf %add3A_78, %add3A_84 : vector<200x32x128xf32>
      %mul3A_89 = arith.mulf %get3A_87, %get3A_87 : vector<200x32xf32>
      %broadcast_in_dim3A_90 = vector.shape_cast %mul3A_89 : vector<200x32xf32> to vector<200x32x1xf32>
      %mul3A_91 = vector.broadcast %broadcast_in_dim3A_90 : vector<200x32x1xf32> to vector<200x32x128xf32>
      %mul3A_92 = arith.mulf %mul3A_88, %mul3A_91 : vector<200x32x128xf32>
      %reduce_sum3A = arith.constant dense<0.000000e+00> : vector<200x128xf32>
      %reduce_sum3A_93 = vector.multi_reduction <add>, %mul3A_92, %reduce_sum3A [1] : vector<200x32x128xf32> to vector<200x128xf32>
      %sub3A_94 = arith.constant 50 : i32
      %sub3A_95 = arith.subi %arg0, %sub3A_94 : i32
      %mul3A_96 = arith.constant 200 : i32
      %mul3A_97 = arith.muli %sub3A_95, %mul3A_96 : i32
      %swap3A = arith.index_cast %mul3A_97 : i32 to index
      %swap3A_98 = arith.constant 0 : index
      %swap3A_99 = vector.load %arg19[%swap3A, %swap3A_98] : memref<10000x128xf32, #tpu.memory_space<vmem>>, vector<200x128xf32>
      tpu.vector_store %arg19[%swap3A, %swap3A_98], %reduce_sum3A_93 {strides = array<i32>} : memref<10000x128xf32, #tpu.memory_space<vmem>>, vector<200x128xf32>,
      %get3A_100 = arith.constant 0 : index
      %get3A_101 = arith.constant 0 : index
      %get3A_102 = vector.load %arg16[%get3A_100, %get3A_101] : memref<8x128xf32, #tpu.memory_space<vmem>>, vector<1x128xf32>
      %reduce_sum3A_103 = arith.constant dense<0.000000e+00> : vector<128xf32>
      %reduce_sum3A_104 = vector.multi_reduction <add>, %reduce_sum3A_93, %reduce_sum3A_103 [0] : vector<200x128xf32> to vector<128xf32>
      %reshape3A_105 = vector.shape_cast %reduce_sum3A_104 : vector<128xf32> to vector<1x128xf32>
      %add3A_106 = arith.addf %get3A_102, %reshape3A_105 : vector<1x128xf32>
      %swap3A_107 = arith.constant 0 : index
      %swap3A_108 = arith.constant 0 : index
      %swap3A_109 = vector.load %arg16[%swap3A_107, %swap3A_108] : memref<8x128xf32, #tpu.memory_space<vmem>>, vector<1x128xf32>
      tpu.vector_store %arg16[%swap3A_107, %swap3A_108], %add3A_106 {strides = array<i32>} : memref<8x128xf32, #tpu.memory_space<vmem>>, vector<1x128xf32>,
      %get3A_110 = arith.constant 1 : index
      %get3A_111 = arith.constant 0 : index
      %get3A_112 = vector.load %arg16[%get3A_110, %get3A_111] : memref<8x128xf32, #tpu.memory_space<vmem>>, vector<1x128xf32>
      %mul3A_113 = arith.mulf %reduce_sum3A_93, %reduce_sum3A_93 : vector<200x128xf32>
      %reduce_sum3A_114 = arith.constant dense<0.000000e+00> : vector<128xf32>
      %reduce_sum3A_115 = vector.multi_reduction <add>, %mul3A_113, %reduce_sum3A_114 [0] : vector<200x128xf32> to vector<128xf32>
      %reshape3A_116 = vector.shape_cast %reduce_sum3A_115 : vector<128xf32> to vector<1x128xf32>
      %add3A_117 = arith.addf %get3A_112, %reshape3A_116 : vector<1x128xf32>
      %swap3A_118 = arith.constant 1 : index
      %swap3A_119 = arith.constant 0 : index
      %swap3A_120 = vector.load %arg16[%swap3A_118, %swap3A_119] : memref<8x128xf32, #tpu.memory_space<vmem>>, vector<1x128xf32>
      tpu.vector_store %arg16[%swap3A_118, %swap3A_119], %add3A_117 {strides = array<i32>} : memref<8x128xf32, #tpu.memory_space<vmem>>, vector<1x128xf32>,
    } else {
    }
    %ge3A_12 = arith.constant 100 : i32
    %ge3A_13 = arith.cmpi sge, %arg0, %ge3A_12 : i32
    %convert_element_type3A_14 = arith.extui %ge3A_13 : i1 to i32
    %cond3A_15 = arith.constant 0 : i32
    %cond3A_16 = arith.cmpi ne, %convert_element_type3A_14, %cond3A_15 : i32
    scf.if %cond3A_16 {
      %sub3A = arith.constant 100 : i32
      %sub3A_17 = arith.subi %arg0, %sub3A : i32
      %get3A = arith.constant 0 : index
      %get3A_18 = arith.constant 0 : index
      %get3A_19 = vector.load %arg16[%get3A, %get3A_18] : memref<8x128xf32, #tpu.memory_space<vmem>>, vector<1x128xf32>
      %div3A = arith.constant 1.000000e+04 : f32
      %div3A_20 = vector.broadcast %div3A : f32 to vector<1x128xf32>
      %div3A_21 = arith.divf %get3A_19, %div3A_20 : vector<1x128xf32>
      %get3A_22 = arith.constant 1 : index
      %get3A_23 = arith.constant 0 : index
      %get3A_24 = vector.load %arg16[%get3A_22, %get3A_23] : memref<8x128xf32, #tpu.memory_space<vmem>>, vector<1x128xf32>
      %div3A_25 = arith.constant 1.000000e+04 : f32
      %div3A_26 = vector.broadcast %div3A_25 : f32 to vector<1x128xf32>
      %div3A_27 = arith.divf %get3A_24, %div3A_26 : vector<1x128xf32>
      %mul3A = arith.mulf %div3A_21, %div3A_21 : vector<1x128xf32>
      %sub3A_28 = arith.subf %div3A_27, %mul3A : vector<1x128xf32>
      %add3A = arith.constant 9.99999974E-6 : f32
      %add3A_29 = vector.broadcast %add3A : f32 to vector<1x128xf32>
      %add3A_30 = arith.addf %sub3A_28, %add3A_29 : vector<1x128xf32>
      %rsqrt3A = math.rsqrt %add3A_30 : vector<1x128xf32>
      %get3A_31 = arith.constant 0 : index
      %get3A_32 = arith.constant 0 : index
      %get3A_33 = vector.load %arg10[%get3A_31, %get3A_32] : memref<1x128xf32, #tpu.memory_space<vmem>>, vector<1x128xf32>
      %mul3A_34 = arith.mulf %get3A_33, %rsqrt3A : vector<1x128xf32>
      %get3A_35 = arith.constant 0 : index
      %get3A_36 = arith.constant 0 : index
      %get3A_37 = vector.load %arg11[%get3A_35, %get3A_36] : memref<1x128xf32, #tpu.memory_space<vmem>>, vector<1x128xf32>
      %mul3A_38 = arith.mulf %div3A_21, %mul3A_34 : vector<1x128xf32>
      %sub3A_39 = arith.subf %get3A_37, %mul3A_38 : vector<1x128xf32>
      %mul3A_40 = arith.constant 2000 : i32
      %mul3A_41 = arith.muli %sub3A_17, %mul3A_40 : i32
      %get3A_42 = arith.index_cast %mul3A_41 : i32 to index
      %get3A_43 = arith.constant 0 : index
      %get3A_44 = vector.load %arg19[%get3A_42, %get3A_43] : memref<10000x128xf32, #tpu.memory_space<vmem>>, vector<2000x128xf32>
      %get3A_45 = arith.constant 0 : index
      %get3A_46 = arith.constant 0 : index
      %get3A_47 = vector.load %arg5[%get3A_45, %get3A_46] : memref<2000x128xf32, #tpu.memory_space<vmem>>, vector<2000x128xf32>
      %mul3A_48 = vector.broadcast %mul3A_34 : vector<1x128xf32> to vector<2000x128xf32>
      %mul3A_49 = arith.mulf %get3A_44, %mul3A_48 : vector<2000x128xf32>
      %add3A_50 = arith.addf %get3A_47, %mul3A_49 : vector<2000x128xf32>
      %add3A_51 = vector.broadcast %sub3A_39 : vector<1x128xf32> to vector<2000x128xf32>
      %add3A_52 = arith.addf %add3A_50, %add3A_51 : vector<2000x128xf32>
      %max3A = arith.constant 0.000000e+00 : f32
      %max3A_53 = vector.broadcast %max3A : f32 to vector<2000x128xf32>
      %max3A_54 = arith.maximumf %add3A_52, %max3A_53 : vector<2000x128xf32>
      %abs3A = math.absf %add3A_52 : vector<2000x128xf32>
      %neg3A = arith.constant 0.000000e+00 : f32
      %neg3A_55 = vector.broadcast %neg3A : f32 to vector<2000x128xf32>
      %neg3A_56 = arith.subf %neg3A_55, %abs3A : vector<2000x128xf32>
      %exp3A = math.exp %neg3A_56 : vector<2000x128xf32>
      %log1p3A = math.log1p %exp3A : vector<2000x128xf32>
      %add3A_57 = arith.addf %max3A_54, %log1p3A : vector<2000x128xf32>
      %get3A_58 = arith.constant 0 : index
      %get3A_59 = arith.constant 0 : index
      %get3A_60 = vector.load %arg12[%get3A_58, %get3A_59] : memref<128x128xf32, #tpu.memory_space<vmem>>, vector<128x128xf32>
      %dot_general3A = arith.constant dense<0.000000e+00> : vector<2000x128xf32>
      %dot_general3A_61 = tpu.matmul %add3A_57, %get3A_60, %dot_general3A {dimension_numbers = #tpu.dot_dimension_numbers<[1], [0], [0], [1], [0, 0, 1, 1], [], []>, transpose_lhs_hint = false} : vector<2000x128xf32>, vector<128x128xf32>, vector<2000x128xf32> -> vector<2000x128xf32>
      %get3A_62 = arith.constant 0 : index
      %get3A_63 = arith.constant 0 : index
      %get3A_64 = vector.load %arg13[%get3A_62, %get3A_63] : memref<1x128xf32, #tpu.memory_space<vmem>>, vector<1x128xf32>
      %add3A_65 = vector.broadcast %get3A_64 : vector<1x128xf32> to vector<2000x128xf32>
      %add3A_66 = arith.addf %dot_general3A_61, %add3A_65 : vector<2000x128xf32>
      %swap3A = arith.constant 0 : index
      %swap3A_67 = arith.constant 0 : index
      %swap3A_68 = vector.load %arg14[%swap3A, %swap3A_67] : memref<2000x128xf32, #tpu.memory_space<vmem>>, vector<2000x128xf32>
      tpu.vector_store %arg14[%swap3A, %swap3A_67], %add3A_66 {strides = array<i32>} : memref<2000x128xf32, #tpu.memory_space<vmem>>, vector<2000x128xf32>,
    } else {
    }
    return
  }
  func.func @transform_0(%arg0: i32) -> (i32, i32) {
    %ge3A = arith.constant 100 : i32
    %ge3A_0 = arith.cmpi sge, %arg0, %ge3A : i32
    %rem3A = arith.constant 50 : i32
    %rem3A_1 = arith.remsi %arg0, %rem3A : i32
    %jit3A = arith.constant 49 : i32
    %select_n3A = arith.select %ge3A_0, %jit3A, %rem3A_1 : i32
    %c0_i32 = arith.constant 0 : i32
    %c0_i32_2 = arith.constant 0 : i32
    return %select_n3A, %c0_i32 : i32, i32
  }
  func.func @transform_1(%arg0: i32) -> (i32, i32) {
    %ge3A = arith.constant 100 : i32
    %ge3A_0 = arith.cmpi sge, %arg0, %ge3A : i32
    %rem3A = arith.constant 50 : i32
    %rem3A_1 = arith.remsi %arg0, %rem3A : i32
    %jit3A = arith.constant 49 : i32
    %select_n3A = arith.select %ge3A_0, %jit3A, %rem3A_1 : i32
    %c0_i32 = arith.constant 0 : i32
    %c0_i32_2 = arith.constant 0 : i32
    return %select_n3A, %c0_i32 : i32, i32
  }
  func.func @transform_2(%arg0: i32) -> (i32, i32) {
    %ge3A = arith.constant 100 : i32
    %ge3A_0 = arith.cmpi sge, %arg0, %ge3A : i32
    %rem3A = arith.constant 50 : i32
    %rem3A_1 = arith.remsi %arg0, %rem3A : i32
    %jit3A = arith.constant 49 : i32
    %select_n3A = arith.select %ge3A_0, %jit3A, %rem3A_1 : i32
    %c0_i32 = arith.constant 0 : i32
    %c0_i32_2 = arith.constant 0 : i32
    return %select_n3A, %c0_i32 : i32, i32
  }
  func.func @transform_3(%arg0: i32) -> (i32, i32) {
    %ge3A = arith.constant 100 : i32
    %ge3A_0 = arith.cmpi sge, %arg0, %ge3A : i32
    %rem3A = arith.constant 50 : i32
    %rem3A_1 = arith.remsi %arg0, %rem3A : i32
    %jit3A = arith.constant 49 : i32
    %select_n3A = arith.select %ge3A_0, %jit3A, %rem3A_1 : i32
    %c0_i32 = arith.constant 0 : i32
    %c0_i32_2 = arith.constant 0 : i32
    return %select_n3A, %c0_i32 : i32, i32
  }
  func.func @transform_4(%arg0: i32) -> (i32, i32) {
    %sub3A = arith.constant 100 : i32
    %sub3A_0 = arith.subi %arg0, %sub3A : i32
    %max3A = arith.constant 0 : i32
    %max3A_1 = arith.maxsi %sub3A_0, %max3A : i32
    %c0_i32 = arith.constant 0 : i32
    %c0_i32_2 = arith.constant 0 : i32
    return %max3A_1, %c0_i32 : i32, i32
  }
  func.func @transform_5(%arg0: i32) -> (i32, i32) {
    %c0_i32 = arith.constant 0 : i32
    %c0_i32_0 = arith.constant 0 : i32
    %c0_i32_1 = arith.constant 0 : i32
    return %c0_i32, %c0_i32_0 : i32, i32
  }
  func.func @transform_6(%arg0: i32) -> (i32, i32) {
    %c0_i32 = arith.constant 0 : i32
    %c0_i32_0 = arith.constant 0 : i32
    %c0_i32_1 = arith.constant 0 : i32
    return %c0_i32, %c0_i32_0 : i32, i32
  }
  func.func @transform_7(%arg0: i32) -> (i32, i32) {
    %c0_i32 = arith.constant 0 : i32
    %c0_i32_0 = arith.constant 0 : i32
    %c0_i32_1 = arith.constant 0 : i32
    return %c0_i32, %c0_i32_0 : i32, i32
  }
  func.func @transform_8(%arg0: i32) -> (i32, i32) {
    %c0_i32 = arith.constant 0 : i32
    %c0_i32_0 = arith.constant 0 : i32
    %c0_i32_1 = arith.constant 0 : i32
    return %c0_i32, %c0_i32_0 : i32, i32
  }
  func.func @transform_9(%arg0: i32) -> (i32, i32) {
    %c0_i32 = arith.constant 0 : i32
    %c0_i32_0 = arith.constant 0 : i32
    %c0_i32_1 = arith.constant 0 : i32
    return %c0_i32, %c0_i32_0 : i32, i32
  }
  func.func @transform_10(%arg0: i32) -> (i32, i32) {
    %c0_i32 = arith.constant 0 : i32
    %c0_i32_0 = arith.constant 0 : i32
    %c0_i32_1 = arith.constant 0 : i32
    return %c0_i32, %c0_i32_0 : i32, i32
  }
  func.func @transform_11(%arg0: i32) -> (i32, i32) {
    %c0_i32 = arith.constant 0 : i32
    %c0_i32_0 = arith.constant 0 : i32
    %c0_i32_1 = arith.constant 0 : i32
    return %c0_i32, %c0_i32_0 : i32, i32
  }
  func.func @transform_12(%arg0: i32) -> (i32, i32) {
    %c0_i32 = arith.constant 0 : i32
    %c0_i32_0 = arith.constant 0 : i32
    %c0_i32_1 = arith.constant 0 : i32
    return %c0_i32, %c0_i32_0 : i32, i32
  }
  func.func @transform_13(%arg0: i32) -> (i32, i32) {
    %sub3A = arith.constant 100 : i32
    %sub3A_0 = arith.subi %arg0, %sub3A : i32
    %max3A = arith.constant 0 : i32
    %max3A_1 = arith.maxsi %sub3A_0, %max3A : i32
    %c0_i32 = arith.constant 0 : i32
    %c0_i32_2 = arith.constant 0 : i32
    return %max3A_1, %c0_i32 : i32, i32
  }
}

</mosaic_0001>

<sc_bundles>
// kernel: kernel.5.cloned.1.call-start
scs
__scs_entry_jumppad:
0x0: {  	(pc) =	sbr.rel $0x88, $3  }
0x1: {  	(tag) =	ssettag $0x0;
	lr =	simm.s32 $0x1  }
0x2: {  	[smem:$0x3F95] =	sst lr;
	_ =	strace $0xD0000000  }
0x3: {  	_ = 	snop  }
0x4: {  	_ = 	snop  }
0x5: {  	_ = 	snop  }
0x6: {  	_ = 	snop  }
0x7: {  	_ = 	snop  }
__scs_overlays_trampoline_lowered:
0x8: {  	[smem:$0x3FA4] =	sst s0  }
0x9: {  	[smem:$0x3FA5] =	sst s1  }
0xa: {  	[smem:$0x3FA6] =	sst s2  }
0xb: {  	[smem:$0x3FA7] =	sst s3  }
0xc: {  	[smem:$0x3FA8] =	sst s4  }
0xd: {  	[smem:$0x3FA9] =	sst s5  }
0xe: {  	[smem:$0x3FAA] =	sst s6  }
0xf: {  	[smem:$0x3FAB] =	sst s7  }
0x10: {  	[smem:$0x3FAC] =	sst s8  }
0x11: {  	[smem:$0x3FAD] =	sst s9;
	s0 =	simm.s32 @!p0 $0x0  }
0x12: {  	s1 =	sld [smem:$0x3F93];
	s0 =	simm.s32 @p0 $0x1  }
0x13: {  	[smem:$0x3FAE] =	sst s0;
	s0 =	simm.s32 @!p1 $0x0  }
0x14: {  	s2 =	sld [smem:$0x3F92];
	s0 =	simm.s32 @p1 $0x1  }
0x15: {  	[smem:$0x3FAF] =	sst s0;
	s0 =	simm.s32 @!p2 $0x0  }
0x16: {  	s3 =	sld [smem:$0x3FDB];
	s0 =	simm.s32 @p2 $0x1  }
0x17: {  	s4 =	simm.s32 $0x1BF5;
	[smem:$0x3FB1] =	sst s0  }
0x18: {  	s0 =	sld [smem:$0x3F94];
	_ =	swait.ge [sflag:s4], $0x0  }
0x19: {  	s7 =	sld [smem:$0x3F95]  }
0x1a: {  	s8 =	sadd.s32 $0xFFFFE003, lr  }
0x1b: {  	s9 =	sadd.s32 $0xFFFFFEF7, lr;
	s5 =	simm.s32 $0xFFFFFFFF;
	p2 =	slt.u32 s8, $0xFFFFF086  }
0x1c: {  	p1 =	slt.u32 s9, $0xF7A;
	s5 =	simm.s32 @!p2 $0x0  }
0x1d: {  	s5 =	simm.s32 @p1 $0x1;
	p0 =	seq.s32 s7, s2  }
0x1e: {  	s7 =	smul.u32 @!p0 $0xF7A, s2;
	p2 =	seq.s32 @!p0 s5, $0x0  }
0x1f: {  	s9 =	smul.u32 $0xF7A, s1;
	s8 =	simm.s32 @!p0 $0x1BF5;
	p2 =	por !p2, p0  }
0x20: {  	[sflag:s8] =	ssyncset.s32 @!p0 $0xFFFFF086;
	s6 =	sadd.s32 @!p0 s3, s7;
	s7 =	simm.s32 @!p0 $0x108  }
0x21: {  	s3 =	sadd.s32 s3, s9;
	s6 =	sadd.s32 @!p0 $0x88, s6;
	s7 =	simm.s32 @p2 $0x1082  }
0x22: {  	[simem:s7], [sflag:s8] =	dma.local @!p0 [hbm:s6], $0xF7A  }
0x23: {  	s9 =	sor.u32 $0xD0000000, s2;
	s6 =	simm.s32 $0x108;
	_ =	swait.ge @!p0 [sflag:s8], $0x0  }
0x24: {  	s3 =	sadd.s32 $0x88, s3;
	s6 =	simm.s32 @!p1 $0x1082;
	[sflag:s4] =	ssyncset.s32 $0xFFFFF086  }
0x25: {  	[simem:s6], [sflag:s4] =	dma.local [hbm:s3], $0xF7A  }
0x26: {  	[smem:$0x3F95] =	sst s1;
	(tag) =	ssettag s2;
	_ =	strace s9  }
0x27: {  	s1 =	sld [smem:$0x3FA5]  }
0x28: {  	s2 =	sld [smem:$0x3FA6]  }
0x29: {  	s4 =	sld [smem:$0x3FA8]  }
0x2a: {  	p0 =	seq.s32 s5, $0x0;
	s5 =	sld [smem:$0x3FA9]  }
0x2b: {  	s6 =	sld [smem:$0x3FAA]  }
0x2c: {  	s7 =	sld [smem:$0x3FAB]  }
0x2d: {  	s3 =	simm.s32 $0x108;
	s8 =	sld [smem:$0x3FAC]  }
0x2e: {  	s3 =	simm.s32 @!p0 $0x1082;
	s9 =	sld [smem:$0x3FAD]  }
0x2f: {  	lr =	sadd.s32 s0, s3;
	s0 =	sld [smem:$0x3FA4]  }
0x30: {  	s3 =	sld [smem:$0x3FA7]  }
0x31: {  	[smem:$0x3FB0] =	sst s10  }
0x32: {  	s10 =	sld [smem:$0x3FAE];
	_ =	sdelay $0x3  }
0x33: {  	p0 =	seq.s32 s10, $0x1;
	s10 =	sld [smem:$0x3FB0];
	_ =	sdelay $0x3  }
0x34: {  	[smem:$0x3FB0] =	sst s10  }
0x35: {  	s10 =	sld [smem:$0x3FAF];
	_ =	sdelay $0x3  }
0x36: {  	p1 =	seq.s32 s10, $0x1;
	s10 =	sld [smem:$0x3FB0];
	_ =	sdelay $0x3  }
0x37: {  	[smem:$0x3FB0] =	sst s10  }
0x38: {  	s10 =	sld [smem:$0x3FB1]  }
0x39: {  	_ = 	snop;
	(pc) =	sbr.ind lr, $3  }
0x3a: {  	_ = 	snop  }
0x3b: {  	_ = 	snop  }
0x3c: {  	p2 =	seq.s32 s10, $0x1;
	s10 =	sld [smem:$0x3FB0]  }
0x3d: {  	_ =	shalt  }
0x3e: {  	_ =	shalt  }
0x3f: {  	_ =	shalt  }
0x40: {  	_ =	shalt  }
0x41: {  	_ =	shalt  }
0x42: {  	_ =	shalt  }
0x43: {  	_ =	shalt  }
0x44: {  	_ =	shalt  }
0x45: {  	_ =	shalt  }
0x46: {  	_ =	shalt  }
0x47: {  	_ =	shalt  }
0x48: {  	_ =	shalt  }
0x49: {  	_ =	shalt  }
0x4a: {  	_ =	shalt  }
0x4b: {  	_ =	shalt  }
0x4c: {  	_ =	shalt  }
0x4d: {  	_ =	shalt  }
0x4e: {  	_ =	shalt  }
0x4f: {  	_ =	shalt  }
0x50: {  	_ =	shalt  }
0x51: {  	_ =	shalt  }
0x52: {  	_ =	shalt  }
0x53: {  	_ =	shalt  }
0x54: {  	_ =	shalt  }
0x55: {  	_ =	shalt  }
0x56: {  	_ =	shalt  }
0x57: {  	_ =	shalt  }
0x58: {  	_ =	shalt  }
0x59: {  	_ =	shalt  }
0x5a: {  	_ =	shalt  }
0x5b: {  	_ =	shalt  }
0x5c: {  	_ =	shalt  }
0x5d: {  	_ =	shalt  }
0x5e: {  	_ =	shalt  }
0x5f: {  	_ =	shalt  }
0x60: {  	_ =	shalt  }
0x61: {  	_ =	shalt  }
0x62: {  	_ =	shalt  }
0x63: {  	_ =	shalt  }
0x64: {  	_ =	shalt  }
0x65: {  	_ =	shalt  }
0x66: {  	_ =	shalt  }
0x67: {  	_ =	shalt  }
0x68: {  	_ =	shalt  }
0x69: {  	_ =	shalt  }
0x6a: {  	_ =	shalt  }
0x6b: {  	_ =	shalt  }
0x6c: {  	_ =	shalt  }
0x6d: {  	_ =	shalt  }
0x6e: {  	_ =	shalt  }
0x6f: {  	_ =	shalt  }
0x70: {  	_ =	shalt  }
0x71: {  	_ =	shalt  }
0x72: {  	_ =	shalt  }
0x73: {  	_ =	shalt  }
0x74: {  	_ =	shalt  }
0x75: {  	_ =	shalt  }
0x76: {  	_ =	shalt  }
0x77: {  	_ =	shalt  }
0x78: {  	_ =	shalt  }
0x79: {  	_ =	shalt  }
0x7a: {  	_ =	shalt  }
0x7b: {  	_ =	shalt  }
0x7c: {  	_ =	shalt  }
0x7d: {  	_ =	shalt  }
0x7e: {  	_ =	shalt  }
0x7f: {  	_ =	shalt  }
0x80: {  	_ =	shalt  }
0x81: {  	_ =	shalt  }
0x82: {  	_ =	shalt  }
0x83: {  	_ =	shalt  }
0x84: {  	_ =	shalt  }
0x85: {  	_ =	shalt  }
0x86: {  	_ =	shalt  }
0x87: {  	_ =	shalt  }
.Lfunc_end0:
.L_simem_size_0:
called_computation_lowered:
.L_overlay_start_0:
0x88: {  	s2 =	sld [smem:$0x3FD9]  }
0x89: {  	s3 =	sld [smem:$0x3FFE];
	_ =	sdelay $0x1  }
0x8a: {  	s1 =	srdreg.scid  }
0x8b: {  	s0 =	sand.u32 $0x1, s1  }
0x8c: {  	s14 =	sshll.u32 s0, $0xA;
	s2 =	sadd.s32 s3, s2  }
0x8d: {  	s2 =	sadd.s32 s2, s14  }
0x8e: {  	[smem:$0x3FBC] =	sst s2  }
0x8f: {  	_ = 	snop  }
0x90: {  	s2 =	sld [smem:$0x3FD0];
	_ =	sdelay $0x2  }
0x91: {  	s4 =	simm.s32 $0xA;
	s5 =	simm.s32 $0x10;
	s15 =	sld [smem:$0x3FC9]  }
0x92: {  	[smem:s5], [sflag:s4] =	dma.local [hbm:s2], $0x1  }
0x93: {  	_ =	swait.eq [sflag:s4], $0x1  }
0x94: {  	[sflag:s4] =	ssyncset.done $0x0  }
0x95: {  	[sflag:s4] =	ssyncadd.s32 $0xFFFFFFFF  }
0x96: {  	s16 =	sld [smem:$0x10];
	(tm) =	ssettm $0x1  }
0x97: {  	s17 =	sld [smem:$0x3FFB];
	_ =	sdelay $0x3  }
0x98: {  	_ =	strace s17  }
0x99: {  	s4 =	sld [smem:$0x3FFC];
	_ =	sdelay $0x3  }
0x9a: {  	_ =	strace s4  }
0x9b: {  	s4 =	sld [smem:$0x3FFD];
	_ =	sdelay $0x3  }
0x9c: {  	_ =	strace s4  }
0x9d: {  	_ =	strace $0x8FFFFFFF  }
0x9e: {  	s18 =	sld [smem:$0x3FDB];
	_ =	sdelay $0x1  }
0x9f: {  	s19 =	simm.s32 $_scs_section_size  }
0xa0: {  	s6 =	simm.s32 $_size__tile_overlayer_lowered;
	s7 =	simm.s32 $_tile_overlayer_lowered  }
0xa1: {  	s22 =	simm.s32 $0x1BFF;
	s21 =	sshll.u32 s7, $0x1;
	s4 =	sadd.s32 s19, s18  }
0xa2: {  	s8 =	simm.s32 $0x0;
	s20 =	sshll.u32 s6, $0x1;
	s6 =	sadd.s32 s21, s4  }
0xa3: {  	[timem:s8], [sflag:s22] =	dma.local [hbm:s6], s20  }
0xa4: {  	_ =	swait.ge [sflag:s22], s20  }
0xa5: {  	s5 =	ssub.s32 $0x0, s20;
	[sflag:s22] =	ssyncset.done $0x0  }
0xa6: {  	[sflag:s22] =	ssyncadd.s32 s5;
	_ =	sdelay $0x1  }
0xa7: {  	s23 =	simm.s32 $0x1B8B  }
0xa8: {  	_ =	swait.ge [sflag:s23], $0x1  }
0xa9: {  	[sflag:s23] =	ssyncset.done $0x0  }
0xaa: {  	s25 =	simm.s32 $0x1B8E;
	s24 =	sld [smem:$0x3FFE];
	[sflag:s23] =	ssyncadd.s32 $0xFFFFFFFF  }
0xab: {  	s26 =	simm.s32 $execute0_lowered;
	[smem:$0x3FD2] =	sst s25  }
0xac: {  	s6 =	sshll.u32 s26, $0x1;
	_ =	strace $0x80000046;
	[dreg:$0x1] =	wrdreg $0xFFFFFFFF  }
0xad: {  	s28 =	simm.s32 $_size_execute0_lowered;
	s4 =	sadd.s32 s4, s6;
	[dreg:$0x0] =	wrdreg $0x0  }
0xae: {  	s6 =	sshll.u32 s28, $0x1;
	[dreg:$0x2] =	wrdreg s4  }
0xaf: {  	[dreg:$0x3] =	wrdreg s6  }
0xb0: {  	[dreg:$0x4] =	wrdreg $0xC0  }
0xb1: {  	_ =	task [dreg:s8], $0x5FFFF  }
0xb2: {  	[dreg:$0x1] =	wrdreg $0xFFFFFFFF  }
0xb3: {  	[dreg:$0x0] =	wrdreg $0x60  }
0xb4: {  	[dreg:$0x2] =	wrdreg s15  }
0xb5: {  	[dreg:$0x3] =	wrdreg s16  }
0xb6: {  	[dreg:$0x4] =	wrdreg s24  }
0xb7: {  	[dreg:$0x5] =	wrdreg $0x9  }
0xb8: {  	_ =	task.clear_ibuf [dreg:s8], $0x6FFFF;
	_ =	strace $0x90000046  }
0xb9: {  	s29 =	simm.s32 $0x9;
	_ =	strace $0x80000048  }
0xba: {  	_ =	swait.ge [sflag:s29], $0x1  }
0xbb: {  	[sflag:s29] =	ssyncadd.s32 $0xFFFFFFFF  }
0xbc: {  	_ =	strace $0x90000048  }
0xbd: {  	_ =	sfence  }
0xbe: {  	s30 =	sld [smem:$0x0];
	_ =	sdelay $0x2  }
0xbf: {  	s31 =	sshll.u32 s1, $0xD;
	s1 =	sshrl.u32 s1, $0x2  }
0xc0: {  	s3 =	sand.u32 $0x4000, s31;
	s1 =	sadd.s32 s1, s30  }
0xc1: {  	s0 =	sor.u32 s3, s0;
	s1 =	sshll.u32 s1, $0x11  }
0xc2: {  	s0 =	sor.u32 s1, s0  }
0xc3: {  	s0 =	sadd.s32 $0x8F2B, s0  }
0xc4: {  	[sflag:s0] =	ssyncadd.remote.s32 $0x1  }
0xc5: {  	_ =	sfence.sel $0xFFFF  }
0xc6: {  	[dreg:$0x0] =	wrdreg $0xFFFFFFFF;
	(pc) =	sbr.abs _section_cstart, $3  }
0xc7: {  	[dreg:$0x1] =	wrdreg $0xFFFFFFFF  }
0xc8: {  	_ =	task.clear_ibuf [dreg:s8], $0x2FFFF;
	_ =	strace $0x9FFFFFFF  }
0xc9: {  	(tm) =	ssettm $0x7FFFFFFF  }
tec
execute0_lowered:
.L_overlay_start_1:
0x0: {  	(tag) =	ssettag $0x1  }
0x1: {  	s1 =	rddreg [dreg:$0x0]  }
0x2: {  	s3 =	rddreg [dreg:$0x1]  }
0x3: {  	s2 =	srdreg.scid;
	s0 =	stileid.u32  }
0x4: {  	s5 =	rddreg [dreg:$0x2];
	s4 =	simm.s32 $0x0;
	s18 =	simm.s32 $0x200  }
0x5: {  	s19 =	simm.s32 $0xCC00;
	s20 =	simm.s32 $0x1;
	s21 =	simm.s32 $0x3  }
0x6: {  	s22 =	simm.s32 $0x2;
	s23 =	simm.s32 $0x4;
	s28 =	smul.u32 $0x4E20, s0  }
0x7: {  	s24 =	simm.s32 $0x0;
	s10 =	sand.u32 $0x1, s2;
	s30 =	smul.u32 $0x4E200, s0  }
0x8: {  	s6 =	sshll.u32 s0, $0x1;
	s2 =	rddreg [dreg:$0x3];
	s14 =	smul.u32 $0x2710, s10  }
0x9: {  	[smem:$0x7FF] =	sst s4;
	s6 =	sor.u32 s10, s6;
	s16 =	smul.u32 $0x27100, s10  }
0xa: {  	s12 =	sadd.s32 $0x1E00, s5;
	s7 =	ssub.s32 $0x2, s10;
	s8 =	smul.u32 $0x2710, s6  }
0xb: {  	_ =	strace $0x80000047;
	s9 =	sshrl.u32 s7, $0x1;
	s11 =	smul.u32 $0x138800, s6  }
0xc: {  	s13 =	smul.u32 $0x27100, s6;
	s17 =	sadd.s32 s30, s12;
	s9 =	ssub.s32 s7, s9  }
0xd: {  	s14 =	sadd.s32 s14, s28;
	s31 =	sadd.s32 s16, s17;
	s16 =	simm.s32 $0x190  }
0xe: {  	s17 =	simm.s32 $0x400;
	s25 =	sshrl.u32 s8, $0x3;
	s26 =	sshrl.u32 s11, $0x3  }
0xf: {  	s8 =	smax.u32 s9, $0x1;
	s13 =	sadd.s32 s12, s13;
	s15 =	sadd.s32 $0x4B0, s14  }
0x10: {  	s14 =	sadd.s32 $0x320, s14;
	s5 =	sadd.s32 s3, s25;
	s29 =	sadd.s32 s12, s26  }
0x11: {  	s9 =	sadd.s32 $0x22600, s13;
	s15 =	sshrl.u32 s15, $0x3;
	s11 =	sadd.s32 $0x23F00, s13  }
0x12: {  	s13 =	sadd.s32 $0x1900, s31;
	s6 =	sadd.s32 $0x32, s5;
	s7 =	sadd.s32 $0x25800, s29  }
0x13: {  	s10 =	sadd.s32 $0x4B0, s5;
	s12 =	sadd.s32 s15, s3;
	s15 =	simm.s32 $0x5  }
.LBB2_1:
0x14: {  	[tilespmem:s4], [sflag:$0x5] =	stream.linear.gather [hbm4b:s5+s4], $0x190, $0x38;
	[tilespmem:$0x19400] =	vst v63  }
0x15: {  	_ =	swait.ge [sflag:s15], $0x190  }
0x16: {  	[sflag:s15] =	ssyncset.done $0x0  }
0x17: {  	[sflag:s15] =	ssyncadd.s32 $0xFFFFFE70  }
0x18: {  	[tilespmem:s17], [sflag:$0x1] =	stream.indirect.gather [hbm4b:s1+s16], $0x80, s4, s16, $0xb8;
	[tilespmem:$0x19400] =	vst v63  }
0x19: {  	_ = 	snop  }
0x1a: {  	[tilespmem:s18], [sflag:$0x5] =	stream.linear.gather [hbm4b:s6+s4], $0x190, $0x38;
	[tilespmem:$0x19400] =	vst v63  }
0x1b: {  	_ =	swait.ge [sflag:s15], $0x190  }
0x1c: {  	[sflag:s15] =	ssyncset.done $0x0  }
0x1d: {  	[sflag:s15] =	ssyncadd.s32 $0xFFFFFE70  }
0x1e: {  	[tilespmem:s19], [sflag:$0x2] =	stream.indirect.gather [hbm4b:s1+s16], $0x80, s18, s16, $0xb8;
	[tilespmem:$0x19400] =	vst v63  }
0x1f: {  	_ =	swait.ge [sflag:s20], $0xC800  }
0x20: {  	[sflag:s20] =	ssyncset.done $0x0  }
0x21: {  	s25 =	sadd.s32 $0xFFFFE700, s13;
	[sflag:s20] =	ssyncadd.s32 $0xFFFF3800  }
0x22: {  	[hbm4b:s25+s4] =	stream.linear.scatter [tilespmem:s17], [sflag:$0x3], $0xC800, $0x38;
	[tilespmem:$0x19400] =	vst v63  }
0x23: {  	_ =	swait.ge [sflag:s21], $0xC800  }
0x24: {  	s30 =	sshrl.u32 s14, $0x3;
	[sflag:s21] =	ssyncset.done $0x0  }
0x25: {  	s25 =	sadd.s32 s3, s30;
	[sflag:s21] =	ssyncadd.s32 $0xFFFF3800  }
0x26: {  	[tilespmem:s4], [sflag:$0x5] =	stream.linear.gather [hbm4b:s25+s4], $0x190, $0x38;
	[tilespmem:$0x19400] =	vst v63  }
0x27: {  	_ =	swait.ge [sflag:s15], $0x190  }
0x28: {  	[sflag:s15] =	ssyncset.done $0x0  }
0x29: {  	[sflag:s15] =	ssyncadd.s32 $0xFFFFFE70  }
0x2a: {  	[tilespmem:s17], [sflag:$0x1] =	stream.indirect.gather [hbm4b:s1+s16], $0x80, s4, s16, $0xb8;
	[tilespmem:$0x19400] =	vst v63  }
0x2b: {  	_ =	swait.ge [sflag:s22], $0xC800  }
0x2c: {  	[sflag:s22] =	ssyncset.done $0x0  }
0x2d: {  	[sflag:s22] =	ssyncadd.s32 $0xFFFF3800  }
0x2e: {  	[hbm4b:s13+s4] =	stream.linear.scatter [tilespmem:s19], [sflag:$0x4], $0xC800, $0x38;
	[tilespmem:$0x19400] =	vst v63  }
0x2f: {  	_ =	swait.ge [sflag:s23], $0xC800  }
0x30: {  	[sflag:s23] =	ssyncset.done $0x0  }
0x31: {  	s31 =	sadd.s32 $0x0, s12;
	[sflag:s23] =	ssyncadd.s32 $0xFFFF3800  }
0x32: {  	[tilespmem:s18], [sflag:$0x5] =	stream.linear.gather [hbm4b:s31+s4], $0x190, $0x38;
	[tilespmem:$0x19400] =	vst v63  }
0x33: {  	_ =	swait.ge [sflag:s15], $0x190  }
0x34: {  	s26 =	sadd.s32 $0x3200, s13;
	[sflag:s15] =	ssyncset.done $0x0  }
0x35: {  	s28 =	sadd.s32 $0x320, s14;
	s25 =	simm.s32 $0x64;
	[sflag:s15] =	ssyncadd.s32 $0xFFFFFE70  }
.LBB2_2:
0x36: {  	[tilespmem:s19], [sflag:$0x2] =	stream.indirect.gather [hbm4b:s1+s16], $0x80, s18, s16, $0xb8;
	[tilespmem:$0x19400] =	vst v63  }
0x37: {  	s29 =	smov.u32 s25  }
0x38: {  	p0 =	sne.s32 s25, $0x3E8;
	s25 =	sadd.s32 $0x64, s25;
	_ =	swait.ge [sflag:s20], $0xC800  }
0x39: {  	[sflag:s20] =	ssyncset.done $0x0  }
0x3a: {  	s30 =	sadd.s32 $0xFFFFE700, s26;
	[sflag:s20] =	ssyncadd.s32 $0xFFFF3800  }
0x3b: {  	[hbm4b:s30+s4] =	stream.linear.scatter [tilespmem:s17], [sflag:$0x3], $0xC800, $0x38;
	[tilespmem:$0x19400] =	vst v63  }
0x3c: {  	_ =	swait.ge [sflag:s21], $0xC800  }
0x3d: {  	s30 =	sshrl.u32 s28, $0x3;
	[sflag:s21] =	ssyncset.done $0x0  }
0x3e: {  	s30 =	sadd.s32 s3, s30;
	[sflag:s21] =	ssyncadd.s32 $0xFFFF3800  }
0x3f: {  	[tilespmem:s4], [sflag:$0x5] =	stream.linear.gather [hbm4b:s30+s4], $0x190, $0x38;
	[tilespmem:$0x19400] =	vst v63  }
0x40: {  	_ =	swait.ge [sflag:s15], $0x190  }
0x41: {  	[sflag:s15] =	ssyncset.done $0x0  }
0x42: {  	[sflag:s15] =	ssyncadd.s32 $0xFFFFFE70  }
0x43: {  	[tilespmem:s17], [sflag:$0x1] =	stream.indirect.gather [hbm4b:s1+s16], $0x80, s4, s16, $0xb8;
	[tilespmem:$0x19400] =	vst v63  }
0x44: {  	_ =	swait.ge [sflag:s22], $0xC800  }
0x45: {  	[sflag:s22] =	ssyncset.done $0x0  }
0x46: {  	[sflag:s22] =	ssyncadd.s32 $0xFFFF3800  }
0x47: {  	[hbm4b:s26+s4] =	stream.linear.scatter [tilespmem:s19], [sflag:$0x4], $0xC800, $0x38;
	[tilespmem:$0x19400] =	vst v63  }
0x48: {  	_ =	swait.ge [sflag:s23], $0xC800  }
0x49: {  	[sflag:s23] =	ssyncset.done $0x0  }
.Ltmp0:
0x4a: {  	s29 =	sadd.s32 s29, s12;
	[sflag:s23] =	ssyncadd.s32 $0xFFFF3800;
	(pc) =	sbr.rel @p0 .LBB2_2-.Ltmp0, $4  }
0x4b: {  	[tilespmem:s18], [sflag:$0x5] =	stream.linear.gather [hbm4b:s29+s4], $0x190, $0x38;
	[tilespmem:$0x19400] =	vst v63  }
0x4c: {  	_ =	swait.ge [sflag:s15], $0x190  }
0x4d: {  	[sflag:s15] =	ssyncset.done $0x0  }
0x4e: {  	s28 =	sadd.s32 $0x320, s28;
	s26 =	sadd.s32 $0x3200, s26;
	[sflag:s15] =	ssyncadd.s32 $0xFFFFFE70  }
0x4f: {  	[tilespmem:s19], [sflag:$0x2] =	stream.indirect.gather [hbm4b:s1+s16], $0x80, s18, s16, $0xb8;
	[tilespmem:$0x19400] =	vst v63  }
0x50: {  	_ =	swait.ge [sflag:s20], $0xC800  }
0x51: {  	[sflag:s20] =	ssyncset.done $0x0  }
0x52: {  	[sflag:s20] =	ssyncadd.s32 $0xFFFF3800  }
0x53: {  	[hbm4b:s9+s4] =	stream.linear.scatter [tilespmem:s17], [sflag:$0x3], $0xC800, $0x38;
	[tilespmem:$0x19400] =	vst v63  }
0x54: {  	_ =	swait.ge [sflag:s21], $0xC800  }
0x55: {  	[sflag:s21] =	ssyncset.done $0x0  }
0x56: {  	[sflag:s21] =	ssyncadd.s32 $0xFFFF3800  }
0x57: {  	[tilespmem:s4], [sflag:$0x5] =	stream.linear.gather [hbm4b:s10+s4], $0x190, $0x38;
	[tilespmem:$0x19400] =	vst v63  }
0x58: {  	_ =	swait.ge [sflag:s15], $0x190  }
0x59: {  	[sflag:s15] =	ssyncset.done $0x0  }
0x5a: {  	[sflag:s15] =	ssyncadd.s32 $0xFFFFFE70  }
0x5b: {  	[tilespmem:s17], [sflag:$0x1] =	stream.indirect.gather [hbm4b:s1+s16], $0x80, s4, s16, $0xb8;
	[tilespmem:$0x19400] =	vst v63  }
0x5c: {  	_ =	swait.ge [sflag:s22], $0xC800  }
0x5d: {  	[sflag:s22] =	ssyncset.done $0x0  }
0x5e: {  	[sflag:s22] =	ssyncadd.s32 $0xFFFF3800  }
0x5f: {  	[hbm4b:s11+s4] =	stream.linear.scatter [tilespmem:s19], [sflag:$0x4], $0xC800, $0x38;
	[tilespmem:$0x19400] =	vst v63  }
0x60: {  	_ =	swait.ge [sflag:s20], $0xC800  }
0x61: {  	[sflag:s20] =	ssyncset.done $0x0  }
0x62: {  	s24 =	sadd.s32 $0x1, s24;
	[sflag:s20] =	ssyncadd.s32 $0xFFFF3800  }
0x63: {  	[hbm4b:s7+s4] =	stream.linear.scatter [tilespmem:s17], [sflag:$0x3], $0xC800, $0x38;
	[tilespmem:$0x19400] =	vst v63  }
0x64: {  	p0 =	sne.s32 s24, s8;
	_ =	swait.ge [sflag:s21], $0xC800  }
.Ltmp1:
0x65: {  	[sflag:s21] =	ssyncset.done $0x0;
	(pc) =	sbr.rel @p0 .LBB2_1-.Ltmp1, $4  }
0x66: {  	[sflag:s21] =	ssyncadd.s32 $0xFFFF3800  }
0x67: {  	_ =	swait.ge [sflag:s23], $0xC800  }
0x68: {  	[sflag:s23] =	ssyncset.done $0x0  }
0x69: {  	[sflag:s23] =	ssyncadd.s32 $0xFFFF3800  }
0x6a: {  	_ =	sfence.sel $0x180000  }
0x6b: {  	[bflag:$0x0] =	sbarrier.arrive $0xFFFF  }
0x6c: {  	p0 =	sne.s32 s0, $0x0;
	_ =	strace $0x90000047  }
0x6d: {  	s0 =	sadd.s32 @!p0 $0x100000, s2;
	[bflag:$0x2] =	sbarrier.arrive $0xFFFF  }
0x6e: {  	[sflag:s0] =	ssyncadd.tile.s32 @!p0 $0x1;
	_ =	shalt  }
.Lfunc_end2:
_tile_overlayer_lowered:
.L_overlay_start_2:
0x6f: {  	(tag) =	ssettag $0x2  }
0x70: {  	s0 =	rddreg [dreg:$0x0];
	s2 =	stileid.u32  }
0x71: {  	s1 =	rddreg [dreg:$0x1];
	p0 =	sne.s32 s2, $0x0  }
0x72: {  	s3 =	rddreg [dreg:$0x2];
	[bflag:$0x3] =	sbarrier.arrive $0xFFFF;
	s2 =	simm.s32 @!p0 $0x1C05  }
0x73: {  	[timem:s3], [sflag:s2] =	dma.local @!p0 [hbm:s0], s1  }
0x74: {  	s0 =	simm.s32 @!p0 $0x5  }
0x75: {  	_ =	swait.ge @!p0 [sflag:s0], s1  }
0x76: {  	s1 =	ssub.s32 @!p0 $0x0, s1;
	[sflag:s0] =	ssyncset.done @!p0 $0x0  }
0x77: {  	[sflag:s0] =	ssyncadd.s32 @!p0 s1  }
0x78: {  	[bflag:$0x3] =	sbarrier.arrive $0xFFFF  }
0x79: {  	_ =	shalt  }

</sc_bundles>
